<compile_context>
chip_gen: v7x
topology: tpu7x:2x2x1
jax: 0.10.2.dev20260603
libtpu: 0.0.44.dev20260713+nightly
codegen_flags: <defaults>
</compile_context>

<pallas_src>
import functools

import jax
import jax.numpy as jnp
from jax import lax
from jax.experimental import pallas as pl
from jax.experimental.pallas import tpu as pltpu
from jax.experimental.pallas import tpu_sc as plsc

_VOCAB = 100000
_DIM = 300
_BATCH = 4096
_MAXLEN = 50
_LPAD = 56
_DPAD = 384
_NZERO = 4096
_VEXT = 106000
_PADBLK = 2000
_SLCBLK = 32


def _pad_table(table):

    def body(t_ref, o_ref):
        i = pl.program_id(0)
        row = i * _PADBLK + lax.broadcasted_iota(jnp.int32, (_PADBLK, _DPAD), 0)
        data = jnp.concatenate(
            [t_ref[...], jnp.zeros((_PADBLK, _DPAD - _DIM), jnp.float32)], axis=1
        )
        o_ref[...] = jnp.where(row < _VOCAB, data, 0.0)

    nin = _VOCAB // _PADBLK
    return pl.pallas_call(
        body,
        grid=(_VEXT // _PADBLK,),
        in_specs=[
            pl.BlockSpec(
                (_PADBLK, _DIM), lambda i: (jnp.minimum(i, nin - 1), 0)
            )
        ],
        out_specs=pl.BlockSpec((_PADBLK, _DPAD), lambda i: (i, 0)),
        out_shape=jax.ShapeDtypeStruct((_VEXT, _DPAD), jnp.float32),
    )(table)


def _mask_and_midx(idx32, len2d):

    def body(idx_ref, len_ref, mask_ref, midx_ref):
        pos = lax.broadcasted_iota(jnp.int32, (_BATCH, _MAXLEN), 1)
        valid = pos < len_ref[...]
        mask_ref[...] = valid.astype(jnp.float32)

        pos56 = lax.broadcasted_iota(jnp.int32, (_BATCH, _LPAD), 1)
        row56 = lax.broadcasted_iota(jnp.int32, (_BATCH, _LPAD), 0)
        valid56 = pos56 < len_ref[...]
        idx56 = jnp.concatenate(
            [idx_ref[...], jnp.zeros((_BATCH, _LPAD - _MAXLEN), jnp.int32)],
            axis=1,
        )
        zrow = _VOCAB + ((row56 * _LPAD + pos56) & (_NZERO - 1))
        midx_ref[...] = jnp.where(valid56, idx56, zrow)

    return pl.pallas_call(
        body,
        out_shape=(
            jax.ShapeDtypeStruct((_BATCH, _MAXLEN), jnp.float32),
            jax.ShapeDtypeStruct((_BATCH, _LPAD), jnp.int32),
        ),
    )(idx32, len2d)


def _sc_gather(table_ext, midx):
    mesh = plsc.VectorSubcoreMesh(core_axis_name="c", subcore_axis_name="s")

    @functools.partial(
        pl.kernel,
        out_type=jax.ShapeDtypeStruct((_BATCH, _LPAD, _DPAD), jnp.float32),
        mesh=mesh,
    )
    def k(table_hbm, idx_hbm, out_hbm):
        def body(i_vmem, o_vmem):
            pltpu.sync_copy(table_hbm.at[i_vmem.at[0]], o_vmem.at[0])

        pltpu.emit_pipeline(
            body,
            grid=(_BATCH,),
            in_specs=[pl.BlockSpec((1, _LPAD), index_map=lambda i: (i, 0))],
            out_specs=[
                pl.BlockSpec((1, _LPAD, _DPAD), index_map=lambda i: (i, 0, 0))
            ],
            core_axis_name=("c", "s"),
            dimension_semantics=(pltpu.PARALLEL,),
        )(idx_hbm, out_hbm)

    return k(table_ext, midx)


def _slice_out(emb_pad):

    def body(i_ref, o_ref):
        o_ref[...] = i_ref[:, : _MAXLEN, : _DIM]

    return pl.pallas_call(
        body,
        grid=(_BATCH // _SLCBLK,),
        in_specs=[pl.BlockSpec((_SLCBLK, _LPAD, _DPAD), lambda i: (i, 0, 0))],
        out_specs=pl.BlockSpec((_SLCBLK, _MAXLEN, _DIM), lambda i: (i, 0, 0)),
        out_shape=jax.ShapeDtypeStruct((_BATCH, _MAXLEN, _DIM), jnp.float32),
    )(emb_pad)


def kernel(table, indices, lengths):
    idx32 = indices.astype(jnp.int32)
    table_ext = _pad_table(table)
    mask, midx = _mask_and_midx(idx32, lengths.reshape(_BATCH, 1))
    emb_pad = _sc_gather(table_ext, midx)
    emb = emb_pad[:, :_MAXLEN, :_DIM]
    return emb, mask

# --- scband reference (transcript-rebuilt; emitter-appended) ---
"""Pipeline reference for scband-glove-embedding-82420422410277 (READ-ONLY COPY).

The authoritative reference and input builder live on the scoring server;
editing this copy changes nothing except your own understanding.
"""

import jax, jax.numpy as jnp
import numpy as np

VOCAB = 100000
DIM = 300
BATCH = 4096
MAXLEN = 50

def setup_inputs(seed: int = 0) -> dict:
    key = jax.random.key(seed)
    k1, k2, k3 = jax.random.split(key, 3)
    # GloVe table stand-in: the original loads a dict token->300d vector; we model it
    # as a dense embedding table and token-id indices (lookup semantics identical).
    table = jax.random.normal(k1, (VOCAB, DIM), dtype=jnp.float32) * 0.05
    indices = jax.random.randint(k2, (BATCH, MAXLEN), 0, VOCAB, dtype=jnp.int64)
    lengths = jax.random.randint(k3, (BATCH,), 0, MAXLEN + 1, dtype=jnp.int32)
    return {"table": table, "indices": indices, "lengths": lengths}

def reference(table, indices, lengths):
    # Per-token embedding lookup (glove_dict.get for each token)
    emb = jnp.take(table, indices, axis=0)  # [B, L, D]
    # create_mask(batch_size, max_length, lengths)
    pos = jnp.arange(MAXLEN, dtype=jnp.int32)
    mask = (pos[None, :] < lengths[:, None]).astype(jnp.float32)  # [B, L]
    # Padding positions are zero vectors in the original (torch.zeros padding)
    emb = emb * mask[:, :, None]
    # Dropout in eval mode is identity (deterministic reference)
    return emb, mask

if __name__ == "__main__":
    import jax
    _d = setup_inputs()
    print(jax.jit(kernel)(*tuple(_d.values())))

</pallas_src>

<mosaic_0001>
#map = affine_map<(d0, d1) -> (0, 0)>
#map1 = affine_map<(d0, d1) -> (0, 0, 0)>
module attributes {stable_mosaic.version = 14 : i64} {
  func.func @k(%arg0: i32, %arg1: i32, %arg2: memref<106000x384xf32, #tpu.memory_space<hbm>>, %arg3: memref<4096x56xi32, #tpu.memory_space<hbm>>, %arg4: memref<4096x56x384xf32, #tpu.memory_space<hbm>>) attributes {dimension_semantics = [#tpu.dimension_semantics<core_parallel>, #tpu.dimension_semantics<subcore_parallel>], iteration_bounds = array<i64: 2, 16>, scalar_prefetch = 0 : i64, scratch_operands = 0 : i64, tpu.core_type = #tpu.core_type<sc_vector_subcore>, window_params = [{transform_indices = #map}, {transform_indices = #map}, {transform_indices = #map1}]} {
    %mul3A = arith.constant 1 : i32
    %mul3A_0 = arith.muli %arg1, %mul3A : i32
    %add3A = arith.constant 0 : i32
    %add3A_1 = arith.addi %add3A, %mul3A_0 : i32
    %mul3A_2 = arith.constant 16 : i32
    %mul3A_3 = arith.muli %arg0, %mul3A_2 : i32
    %add3A_4 = arith.addi %add3A_1, %mul3A_3 : i32
    %mul3A_5 = arith.constant 128 : i32
    %mul3A_6 = arith.muli %add3A_4, %mul3A_5 : i32
    "tpu.region"() ({
      %run_scoped3A = memref.alloca() : memref<2x1x56xi32, #tpu.memory_space<vmem>>
      %run_scoped3A_7 = tpu.sem_alloc : memref<2x!tpu.dma_semaphore, #tpu.memory_space<semaphore_mem>>
      %run_scoped3A_8 = memref.alloca() : memref<2x1x56x384xf32, #tpu.memory_space<vmem>>
      %run_scoped3A_9 = tpu.sem_alloc : memref<2x!tpu.dma_semaphore, #tpu.memory_space<semaphore_mem>>
      %add3A_10 = arith.constant 0 : i32
      %add3A_11 = arith.addi %add3A_10, %mul3A_6 : i32
      %select_n3A = arith.constant true
      %select_n3A_12 = arith.constant 0 : i32
      %select_n3A_13 = arith.constant -1 : i32
      %select_n3A_14 = arith.select %select_n3A, %select_n3A_13, %select_n3A_12 : i32
      %eq3A = arith.constant -1 : i32
      %eq3A_15 = arith.cmpi eq, %select_n3A_14, %eq3A : i32
      %select_n3A_16 = arith.constant 127 : i32
      %select_n3A_17 = arith.select %eq3A_15, %select_n3A_16, %select_n3A_14 : i32
      %add3A_18 = arith.addi %select_n3A_17, %mul3A_6 : i32
      %select_n3A_19 = arith.constant true
      %select_n3A_20 = arith.constant 0 : i32
      %select_n3A_21 = arith.constant 1 : i32
      %select_n3A_22 = arith.select %select_n3A_19, %select_n3A_21, %select_n3A_20 : i32
      %eq3A_23 = arith.constant 128 : i32
      %eq3A_24 = arith.cmpi eq, %select_n3A_22, %eq3A_23 : i32
      %select_n3A_25 = arith.constant 0 : i32
      %select_n3A_26 = arith.select %eq3A_24, %select_n3A_25, %select_n3A_22 : i32
      %add3A_27 = arith.addi %select_n3A_26, %mul3A_6 : i32
      %add3A_28 = arith.constant 1 : i32
      %add3A_29 = arith.addi %select_n3A_26, %add3A_28 : i32
      %select_n3A_30 = arith.constant true
      %select_n3A_31 = arith.select %select_n3A_30, %add3A_29, %select_n3A_26 : i32
      %eq3A_32 = arith.constant 128 : i32
      %eq3A_33 = arith.cmpi eq, %select_n3A_31, %eq3A_32 : i32
      %select_n3A_34 = arith.constant 0 : i32
      %select_n3A_35 = arith.select %eq3A_33, %select_n3A_34, %select_n3A_31 : i32
      %add3A_36 = arith.addi %select_n3A_35, %mul3A_6 : i32
      "tpu.trace_start"() <{level = 10 : i32, message = "ep_initialize_0"}> : () -> ()
      %rem3A = arith.constant 0 : i32
      %rem3A_37 = arith.constant 2 : i32
      %rem3A_38 = arith.remui %rem3A, %rem3A_37 : i32
      %mul3A_39 = arith.constant 1 : i32
      %mul3A_40 = arith.muli %mul3A_39, %add3A_11 : i32
      %dma_start3A = arith.constant 0 : i32
      %dma_start3A_41 = arith.constant 0 : i32
      %dma_start3A_42 = tpu.memref_slice %run_scoped3A[%rem3A_38, %dma_start3A, %dma_start3A_41] : memref<2x1x56xi32, #tpu.memory_space<vmem>> -> memref<1x1x56xi32, #tpu.memory_space<vmem>>
      %dma_start3A_43 = tpu.memref_squeeze %dma_start3A_42 : memref<1x1x56xi32, #tpu.memory_space<vmem>> -> memref<1x56xi32, #tpu.memory_space<vmem>>
      %dma_start3A_44 = arith.constant 0 : i32
      %dma_start3A_45 = tpu.memref_slice %arg3[%mul3A_40, %dma_start3A_44] : memref<4096x56xi32, #tpu.memory_space<hbm>> -> memref<1x56xi32, #tpu.memory_space<hbm>>
      %dma_start3A_46 = tpu.memref_slice %run_scoped3A_7[%rem3A_38] : memref<2x!tpu.dma_semaphore, #tpu.memory_space<semaphore_mem>> -> memref<1x!tpu.dma_semaphore, #tpu.memory_space<semaphore_mem>>
      %dma_start3A_47 = tpu.memref_squeeze %dma_start3A_46 : memref<1x!tpu.dma_semaphore, #tpu.memory_space<semaphore_mem>> -> memref<!tpu.dma_semaphore, #tpu.memory_space<semaphore_mem>>
      %dma_start3A_48 = arith.constant 0 : i32
      %dma_start3A_49 = arith.constant 0 : i32
      %dma_start3A_50 = tpu.memref_slice %run_scoped3A[%rem3A_38, %dma_start3A_48, %dma_start3A_49] : memref<2x1x56xi32, #tpu.memory_space<vmem>> -> memref<1x1x56xi32, #tpu.memory_space<vmem>>
      %dma_start3A_51 = tpu.memref_squeeze %dma_start3A_50 : memref<1x1x56xi32, #tpu.memory_space<vmem>> -> memref<1x56xi32, #tpu.memory_space<vmem>>
      %dma_start3A_52 = arith.constant 0 : i32
      %dma_start3A_53 = tpu.memref_slice %arg3[%mul3A_40, %dma_start3A_52] : memref<4096x56xi32, #tpu.memory_space<hbm>> -> memref<1x56xi32, #tpu.memory_space<hbm>>
      tpu.enqueue_dma source(%dma_start3A_53 : memref<1x56xi32, #tpu.memory_space<hbm>>) target(%dma_start3A_51 : memref<1x56xi32, #tpu.memory_space<vmem>>) target_semaphore(%dma_start3A_47 : memref<!tpu.dma_semaphore, #tpu.memory_space<semaphore_mem>>)
      %add3A_54 = arith.constant 0 : i32
      %add3A_55 = arith.constant 1 : i32
      %add3A_56 = arith.addi %add3A_54, %add3A_55 : i32
      %select_n3A_57 = arith.constant true
      %select_n3A_58 = arith.constant 0 : i32
      %select_n3A_59 = arith.select %select_n3A_57, %add3A_56, %select_n3A_58 : i32
      "tpu.trace_stop"() : () -> ()
      %scan3A = arith.constant 0 : i32
      %scan3A_60 = arith.constant 0 : i32
      %scan3A_61 = arith.constant 0 : i32
      %scan3A_62 = arith.constant 0 : i32
      %scan3A_63 = arith.constant 0 : i32
      %scan3A_64 = arith.constant 128 : i32
      %scan3A_65 = arith.addi %scan3A_63, %scan3A_64 : i32
      %scan3A_66 = arith.constant 1 : i32
      %scan3A_67:5 = scf.for %scan3A_125 = %scan3A_63 to %scan3A_65 step %scan3A_66 iter_args(%scan3A_126 = %select_n3A_59, %scan3A_127 = %scan3A, %scan3A_128 = %scan3A_60, %scan3A_129 = %scan3A_61, %scan3A_130 = %scan3A_62) -> (i32, i32, i32, i32, i32)  : i32 {
        %eq3A_131 = arith.constant 0 : i32
        %eq3A_132 = arith.cmpi eq, %scan3A_125, %eq3A_131 : i32
        %eq3A_133 = arith.constant 127 : i32
        %eq3A_134 = arith.cmpi eq, %scan3A_125, %eq3A_133 : i32
        %add3A_135 = arith.addi %scan3A_130, %mul3A_6 : i32
        %sub3A_136 = arith.constant 1 : i32
        %sub3A_137 = arith.subi %scan3A_130, %sub3A_136 : i32
        %select_n3A_138 = arith.constant true
        %select_n3A_139 = arith.select %select_n3A_138, %sub3A_137, %scan3A_130 : i32
        %eq3A_140 = arith.constant -1 : i32
        %eq3A_141 = arith.cmpi eq, %select_n3A_139, %eq3A_140 : i32
        %select_n3A_142 = arith.constant 127 : i32
        %select_n3A_143 = arith.select %eq3A_141, %select_n3A_142, %select_n3A_139 : i32
        %add3A_144 = arith.addi %select_n3A_143, %mul3A_6 : i32
        %add3A_145 = arith.constant 1 : i32
        %add3A_146 = arith.addi %scan3A_130, %add3A_145 : i32
        %select_n3A_147 = arith.constant true
        %select_n3A_148 = arith.select %select_n3A_147, %add3A_146, %scan3A_130 : i32
        %eq3A_149 = arith.constant 128 : i32
        %eq3A_150 = arith.cmpi eq, %select_n3A_148, %eq3A_149 : i32
        %select_n3A_151 = arith.constant 0 : i32
        %select_n3A_152 = arith.select %eq3A_150, %select_n3A_151, %select_n3A_148 : i32
        %add3A_153 = arith.addi %select_n3A_152, %mul3A_6 : i32
        %add3A_154 = arith.constant 1 : i32
        %add3A_155 = arith.addi %select_n3A_152, %add3A_154 : i32
        %select_n3A_156 = arith.constant true
        %select_n3A_157 = arith.select %select_n3A_156, %add3A_155, %select_n3A_152 : i32
        %eq3A_158 = arith.constant 128 : i32
        %eq3A_159 = arith.cmpi eq, %select_n3A_157, %eq3A_158 : i32
        %select_n3A_160 = arith.constant 0 : i32
        %select_n3A_161 = arith.select %eq3A_159, %select_n3A_160, %select_n3A_157 : i32
        %add3A_162 = arith.addi %select_n3A_161, %mul3A_6 : i32
        %ne3A = arith.cmpi ne, %add3A_135, %add3A_153 : i32
        %or3A = arith.constant false
        %or3A_163 = arith.ori %or3A, %ne3A : i1
        %or3A_164 = arith.constant false
        %or3A_165 = arith.ori %or3A_163, %or3A_164 : i1
        %ge3A = arith.constant 127 : i32
        %ge3A_166 = arith.cmpi sge, %scan3A_125, %ge3A : i32
        %not3A = arith.constant true
        %not3A_167 = arith.xori %ge3A_166, %not3A : i1
        %and3A = arith.andi %or3A_165, %not3A_167 : i1
        %convert_element_type3A = arith.extui %and3A : i1 to i32
        %cond3A = arith.constant 0 : i32
        %cond3A_168 = arith.cmpi ne, %convert_element_type3A, %cond3A : i32
        scf.if %cond3A_168 {
          "tpu.trace_start"() <{level = 10 : i32, message = "ep_copy_in"}> : () -> ()
          %rem3A_287 = arith.constant 2 : i32
          %rem3A_288 = arith.remui %scan3A_126, %rem3A_287 : i32
          %mul3A_289 = arith.constant 1 : i32
          %mul3A_290 = arith.muli %mul3A_289, %add3A_153 : i32
          %dma_start3A_291 = arith.constant 0 : i32
          %dma_start3A_292 = arith.constant 0 : i32
          %dma_start3A_293 = tpu.memref_slice %run_scoped3A[%rem3A_288, %dma_start3A_291, %dma_start3A_292] : memref<2x1x56xi32, #tpu.memory_space<vmem>> -> memref<1x1x56xi32, #tpu.memory_space<vmem>>
          %dma_start3A_294 = tpu.memref_squeeze %dma_start3A_293 : memref<1x1x56xi32, #tpu.memory_space<vmem>> -> memref<1x56xi32, #tpu.memory_space<vmem>>
          %dma_start3A_295 = arith.constant 0 : i32
          %dma_start3A_296 = tpu.memref_slice %arg3[%mul3A_290, %dma_start3A_295] : memref<4096x56xi32, #tpu.memory_space<hbm>> -> memref<1x56xi32, #tpu.memory_space<hbm>>
          %dma_start3A_297 = tpu.memref_slice %run_scoped3A_7[%rem3A_288] : memref<2x!tpu.dma_semaphore, #tpu.memory_space<semaphore_mem>> -> memref<1x!tpu.dma_semaphore, #tpu.memory_space<semaphore_mem>>
          %dma_start3A_298 = tpu.memref_squeeze %dma_start3A_297 : memref<1x!tpu.dma_semaphore, #tpu.memory_space<semaphore_mem>> -> memref<!tpu.dma_semaphore, #tpu.memory_space<semaphore_mem>>
          %dma_start3A_299 = arith.constant 0 : i32
          %dma_start3A_300 = arith.constant 0 : i32
          %dma_start3A_301 = tpu.memref_slice %run_scoped3A[%rem3A_288, %dma_start3A_299, %dma_start3A_300] : memref<2x1x56xi32, #tpu.memory_space<vmem>> -> memref<1x1x56xi32, #tpu.memory_space<vmem>>
          %dma_start3A_302 = tpu.memref_squeeze %dma_start3A_301 : memref<1x1x56xi32, #tpu.memory_space<vmem>> -> memref<1x56xi32, #tpu.memory_space<vmem>>
          %dma_start3A_303 = arith.constant 0 : i32
          %dma_start3A_304 = tpu.memref_slice %arg3[%mul3A_290, %dma_start3A_303] : memref<4096x56xi32, #tpu.memory_space<hbm>> -> memref<1x56xi32, #tpu.memory_space<hbm>>
          tpu.enqueue_dma source(%dma_start3A_304 : memref<1x56xi32, #tpu.memory_space<hbm>>) target(%dma_start3A_302 : memref<1x56xi32, #tpu.memory_space<vmem>>) target_semaphore(%dma_start3A_298 : memref<!tpu.dma_semaphore, #tpu.memory_space<semaphore_mem>>)
          "tpu.trace_stop"() : () -> ()
        } else {
        }
        %and3A_169 = arith.constant true
        %and3A_170 = arith.andi %and3A, %and3A_169 : i1
        %add3A_171 = arith.constant 1 : i32
        %add3A_172 = arith.addi %scan3A_126, %add3A_171 : i32
        %select_n3A_173 = arith.select %and3A_170, %add3A_172, %scan3A_126 : i32
        %ne3A_174 = arith.cmpi ne, %add3A_135, %add3A_153 : i32
        %or3A_175 = arith.constant false
        %or3A_176 = arith.ori %or3A_175, %ne3A_174 : i1
        %or3A_177 = arith.constant false
        %or3A_178 = arith.ori %or3A_176, %or3A_177 : i1
        %or3A_179 = arith.constant false
        %or3A_180 = arith.ori %or3A_178, %or3A_179 : i1
        %ge3A_181 = arith.constant 127 : i32
        %ge3A_182 = arith.cmpi sge, %scan3A_125, %ge3A_181 : i32
        %not3A_183 = arith.constant true
        %not3A_184 = arith.xori %ge3A_182, %not3A_183 : i1
        %and3A_185 = arith.andi %or3A_180, %not3A_184 : i1
        %ne3A_186 = arith.cmpi ne, %add3A_135, %add3A_144 : i32
        %or3A_187 = arith.constant false
        %or3A_188 = arith.ori %or3A_187, %ne3A_186 : i1
        %or3A_189 = arith.constant false
        %or3A_190 = arith.ori %or3A_188, %or3A_189 : i1
        %or3A_191 = arith.ori %or3A_190, %eq3A_132 : i1
        %convert_element_type3A_192 = arith.extui %or3A_191 : i1 to i32
        %cond3A_193 = arith.constant 0 : i32
        %cond3A_194 = arith.cmpi ne, %convert_element_type3A_192, %cond3A_193 : i32
        scf.if %cond3A_194 {
          "tpu.trace_start"() <{level = 10 : i32, message = "ep_wait_in"}> : () -> ()
          %mul3A_287 = arith.constant 1 : i32
          %mul3A_288 = arith.muli %mul3A_287, %add3A_135 : i32
          %rem3A_289 = arith.constant 2 : i32
          %rem3A_290 = arith.remui %scan3A_127, %rem3A_289 : i32
          %dma_wait3A_291 = arith.constant 0 : i32
          %dma_wait3A_292 = arith.constant 0 : i32
          %dma_wait3A_293 = tpu.memref_slice %run_scoped3A[%rem3A_290, %dma_wait3A_291, %dma_wait3A_292] : memref<2x1x56xi32, #tpu.memory_space<vmem>> -> memref<1x1x56xi32, #tpu.memory_space<vmem>>
          %dma_wait3A_294 = tpu.memref_squeeze %dma_wait3A_293 : memref<1x1x56xi32, #tpu.memory_space<vmem>> -> memref<1x56xi32, #tpu.memory_space<vmem>>
          %dma_wait3A_295 = arith.constant 0 : i32
          %dma_wait3A_296 = tpu.memref_slice %arg3[%mul3A_288, %dma_wait3A_295] : memref<4096x56xi32, #tpu.memory_space<hbm>> -> memref<1x56xi32, #tpu.memory_space<hbm>>
          %dma_wait3A_297 = tpu.memref_slice %run_scoped3A_7[%rem3A_290] : memref<2x!tpu.dma_semaphore, #tpu.memory_space<semaphore_mem>> -> memref<1x!tpu.dma_semaphore, #tpu.memory_space<semaphore_mem>>
          %dma_wait3A_298 = tpu.memref_squeeze %dma_wait3A_297 : memref<1x!tpu.dma_semaphore, #tpu.memory_space<semaphore_mem>> -> memref<!tpu.dma_semaphore, #tpu.memory_space<semaphore_mem>>
          %dma_wait3A_299 = arith.constant 0 : i32
          %dma_wait3A_300 = arith.constant 0 : i32
          %dma_wait3A_301 = tpu.memref_slice %run_scoped3A[%rem3A_290, %dma_wait3A_299, %dma_wait3A_300] : memref<2x1x56xi32, #tpu.memory_space<vmem>> -> memref<1x1x56xi32, #tpu.memory_space<vmem>>
          %dma_wait3A_302 = tpu.memref_squeeze %dma_wait3A_301 : memref<1x1x56xi32, #tpu.memory_space<vmem>> -> memref<1x56xi32, #tpu.memory_space<vmem>>
          %dma_wait3A_303 = arith.constant 0 : i32
          %dma_wait3A_304 = tpu.memref_slice %arg3[%mul3A_288, %dma_wait3A_303] : memref<4096x56xi32, #tpu.memory_space<hbm>> -> memref<1x56xi32, #tpu.memory_space<hbm>>
          tpu.wait_dma2 semaphore(%dma_wait3A_298 : memref<!tpu.dma_semaphore, #tpu.memory_space<semaphore_mem>>) src(%dma_wait3A_304 : memref<1x56xi32, #tpu.memory_space<hbm>>) dst(%dma_wait3A_302 : memref<1x56xi32, #tpu.memory_space<vmem>>)
          "tpu.trace_stop"() : () -> ()
        } else {
        }
        %ne3A_195 = arith.cmpi ne, %add3A_135, %add3A_144 : i32
        %or3A_196 = arith.constant false
        %or3A_197 = arith.ori %or3A_196, %ne3A_195 : i1
        %or3A_198 = arith.constant false
        %or3A_199 = arith.ori %or3A_197, %or3A_198 : i1
        %or3A_200 = arith.constant false
        %or3A_201 = arith.ori %or3A_199, %or3A_200 : i1
        %or3A_202 = arith.ori %or3A_201, %eq3A_132 : i1
        %convert_element_type3A_203 = arith.extui %or3A_202 : i1 to i32
        %cond3A_204 = arith.constant 0 : i32
        %cond3A_205 = arith.cmpi ne, %convert_element_type3A_203, %cond3A_204 : i32
        scf.if %cond3A_205 {
        } else {
        }
        %rem3A_206 = arith.constant 2 : i32
        %rem3A_207 = arith.remui %scan3A_127, %rem3A_206 : i32
        %rem3A_208 = arith.constant 2 : i32
        %rem3A_209 = arith.remui %scan3A_128, %rem3A_208 : i32
        %run_scoped3A_210 = arith.constant 0 : i32
        %run_scoped3A_211 = arith.constant 0 : i32
        "tpu.trace_start"() <{level = 10 : i32, message = "ep_run_kernel"}> : () -> ()
        "tpu.region"() ({
          %run_scoped3A_287 = tpu.sem_alloc : memref<!tpu.dma_semaphore, #tpu.memory_space<semaphore_mem>>
          %dma_start3A_288 = arith.constant 0 : i32
          %dma_start3A_289 = arith.constant 0 : i32
          %dma_start3A_290 = arith.constant 0 : i32
          %dma_start3A_291 = tpu.memref_slice %run_scoped3A_8[%rem3A_209, %dma_start3A_288, %dma_start3A_289, %dma_start3A_290] : memref<2x1x56x384xf32, #tpu.memory_space<vmem>> -> memref<1x1x56x384xf32, #tpu.memory_space<vmem>>
          %dma_start3A_292 = tpu.memref_squeeze %dma_start3A_291 : memref<1x1x56x384xf32, #tpu.memory_space<vmem>> -> memref<1x56x384xf32, #tpu.memory_space<vmem>>
          %dma_start3A_293 = arith.constant 0 : i32
          %dma_start3A_294 = arith.constant 0 : i32
          %dma_start3A_295 = tpu.memref_slice %dma_start3A_292[%run_scoped3A_211, %dma_start3A_293, %dma_start3A_294] : memref<1x56x384xf32, #tpu.memory_space<vmem>> -> memref<1x56x384xf32, #tpu.memory_space<vmem>>
          %dma_start3A_296 = tpu.memref_squeeze %dma_start3A_295 : memref<1x56x384xf32, #tpu.memory_space<vmem>> -> memref<56x384xf32, #tpu.memory_space<vmem>>
          %dma_start3A_297 = arith.constant 0 : i32
          %dma_start3A_298 = arith.constant 0 : i32
          %dma_start3A_299 = tpu.memref_slice %run_scoped3A[%rem3A_207, %dma_start3A_297, %dma_start3A_298] : memref<2x1x56xi32, #tpu.memory_space<vmem>> -> memref<1x1x56xi32, #tpu.memory_space<vmem>>
          %dma_start3A_300 = tpu.memref_squeeze %dma_start3A_299 : memref<1x1x56xi32, #tpu.memory_space<vmem>> -> memref<1x56xi32, #tpu.memory_space<vmem>>
          %dma_start3A_301 = arith.constant 0 : i32
          %dma_start3A_302 = tpu.memref_slice %dma_start3A_300[%run_scoped3A_210, %dma_start3A_301] : memref<1x56xi32, #tpu.memory_space<vmem>> -> memref<1x56xi32, #tpu.memory_space<vmem>>
          %dma_start3A_303 = tpu.memref_squeeze %dma_start3A_302 : memref<1x56xi32, #tpu.memory_space<vmem>> -> memref<56xi32, #tpu.memory_space<vmem>>
          %dma_start3A_304 = arith.constant 0 : i32
          %dma_start3A_305 = arith.constant 0 : i32
          %dma_start3A_306 = tpu.memref_slice %arg2[%dma_start3A_304, %dma_start3A_305] : memref<106000x384xf32, #tpu.memory_space<hbm>> -> memref<106000x384xf32, #tpu.memory_space<hbm>>
          tpu.enqueue_indirect_dma source(%dma_start3A_306 : memref<106000x384xf32, #tpu.memory_space<hbm>>) target(%dma_start3A_296 : memref<56x384xf32, #tpu.memory_space<vmem>>) offsets(%dma_start3A_303 : memref<56xi32, #tpu.memory_space<vmem>>) semaphore(%run_scoped3A_287 : memref<!tpu.dma_semaphore, #tpu.memory_space<semaphore_mem>>)
          %dma_wait3A_307 = arith.constant 0 : i32
          %dma_wait3A_308 = arith.constant 0 : i32
          %dma_wait3A_309 = arith.constant 0 : i32
          %dma_wait3A_310 = tpu.memref_slice %run_scoped3A_8[%rem3A_209, %dma_wait3A_307, %dma_wait3A_308, %dma_wait3A_309] : memref<2x1x56x384xf32, #tpu.memory_space<vmem>> -> memref<1x1x56x384xf32, #tpu.memory_space<vmem>>
          %dma_wait3A_311 = tpu.memref_squeeze %dma_wait3A_310 : memref<1x1x56x384xf32, #tpu.memory_space<vmem>> -> memref<1x56x384xf32, #tpu.memory_space<vmem>>
          %dma_wait3A_312 = arith.constant 0 : i32
          %dma_wait3A_313 = arith.constant 0 : i32
          %dma_wait3A_314 = tpu.memref_slice %dma_wait3A_311[%run_scoped3A_211, %dma_wait3A_312, %dma_wait3A_313] : memref<1x56x384xf32, #tpu.memory_space<vmem>> -> memref<1x56x384xf32, #tpu.memory_space<vmem>>
          %dma_wait3A_315 = tpu.memref_squeeze %dma_wait3A_314 : memref<1x56x384xf32, #tpu.memory_space<vmem>> -> memref<56x384xf32, #tpu.memory_space<vmem>>
          %dma_wait3A_316 = arith.constant 0 : i32
          %dma_wait3A_317 = arith.constant 0 : i32
          %dma_wait3A_318 = tpu.memref_slice %run_scoped3A[%rem3A_207, %dma_wait3A_316, %dma_wait3A_317] : memref<2x1x56xi32, #tpu.memory_space<vmem>> -> memref<1x1x56xi32, #tpu.memory_space<vmem>>
          %dma_wait3A_319 = tpu.memref_squeeze %dma_wait3A_318 : memref<1x1x56xi32, #tpu.memory_space<vmem>> -> memref<1x56xi32, #tpu.memory_space<vmem>>
          %dma_wait3A_320 = arith.constant 0 : i32
          %dma_wait3A_321 = tpu.memref_slice %dma_wait3A_319[%run_scoped3A_210, %dma_wait3A_320] : memref<1x56xi32, #tpu.memory_space<vmem>> -> memref<1x56xi32, #tpu.memory_space<vmem>>
          %dma_wait3A_322 = tpu.memref_squeeze %dma_wait3A_321 : memref<1x56xi32, #tpu.memory_space<vmem>> -> memref<56xi32, #tpu.memory_space<vmem>>
          %dma_wait3A_323 = arith.constant 0 : i32
          %dma_wait3A_324 = arith.constant 0 : i32
          %dma_wait3A_325 = tpu.memref_slice %arg2[%dma_wait3A_323, %dma_wait3A_324] : memref<106000x384xf32, #tpu.memory_space<hbm>> -> memref<106000x384xf32, #tpu.memory_space<hbm>>
          tpu.wait_indirect_dma semaphore(%run_scoped3A_287 : memref<!tpu.dma_semaphore, #tpu.memory_space<semaphore_mem>>) src(%dma_wait3A_325 : memref<106000x384xf32, #tpu.memory_space<hbm>>) dst(%dma_wait3A_315 : memref<56x384xf32, #tpu.memory_space<vmem>>)
          tpu.yield
        }) : () -> ()
        "tpu.trace_stop"() : () -> ()
        %ne3A_212 = arith.cmpi ne, %add3A_135, %add3A_153 : i32
        %or3A_213 = arith.constant false
        %or3A_214 = arith.ori %or3A_213, %ne3A_212 : i1
        %or3A_215 = arith.constant false
        %or3A_216 = arith.ori %or3A_214, %or3A_215 : i1
        %or3A_217 = arith.ori %or3A_216, %eq3A_134 : i1
        %convert_element_type3A_218 = arith.extui %or3A_217 : i1 to i32
        %cond3A_219 = arith.constant 0 : i32
        %cond3A_220 = arith.cmpi ne, %convert_element_type3A_218, %cond3A_219 : i32
        scf.if %cond3A_220 {
        } else {
        }
        %and3A_221 = arith.constant false
        %and3A_222 = arith.andi %or3A_217, %and3A_221 : i1
        %ne3A_223 = arith.cmpi ne, %add3A_135, %add3A_153 : i32
        %or3A_224 = arith.constant false
        %or3A_225 = arith.ori %or3A_224, %ne3A_223 : i1
        %or3A_226 = arith.constant false
        %or3A_227 = arith.ori %or3A_225, %or3A_226 : i1
        %or3A_228 = arith.constant false
        %or3A_229 = arith.ori %or3A_227, %or3A_228 : i1
        %or3A_230 = arith.ori %or3A_229, %eq3A_134 : i1
        %convert_element_type3A_231 = arith.extui %or3A_230 : i1 to i32
        %cond3A_232 = arith.constant 0 : i32
        %cond3A_233 = arith.cmpi ne, %convert_element_type3A_231, %cond3A_232 : i32
        scf.if %cond3A_233 {
          "tpu.trace_start"() <{level = 10 : i32, message = "ep_copy_out"}> : () -> ()
          %rem3A_287 = arith.constant 2 : i32
          %rem3A_288 = arith.remui %scan3A_128, %rem3A_287 : i32
          %mul3A_289 = arith.constant 1 : i32
          %mul3A_290 = arith.muli %mul3A_289, %add3A_135 : i32
          %dma_start3A_291 = arith.constant 0 : i32
          %dma_start3A_292 = arith.constant 0 : i32
          %dma_start3A_293 = arith.constant 0 : i32
          %dma_start3A_294 = tpu.memref_slice %run_scoped3A_8[%rem3A_288, %dma_start3A_291, %dma_start3A_292, %dma_start3A_293] : memref<2x1x56x384xf32, #tpu.memory_space<vmem>> -> memref<1x1x56x384xf32, #tpu.memory_space<vmem>>
          %dma_start3A_295 = tpu.memref_squeeze %dma_start3A_294 : memref<1x1x56x384xf32, #tpu.memory_space<vmem>> -> memref<1x56x384xf32, #tpu.memory_space<vmem>>
          %dma_start3A_296 = arith.constant 0 : i32
          %dma_start3A_297 = arith.constant 0 : i32
          %dma_start3A_298 = tpu.memref_slice %arg4[%mul3A_290, %dma_start3A_296, %dma_start3A_297] : memref<4096x56x384xf32, #tpu.memory_space<hbm>> -> memref<1x56x384xf32, #tpu.memory_space<hbm>>
          %dma_start3A_299 = tpu.memref_slice %run_scoped3A_9[%rem3A_288] : memref<2x!tpu.dma_semaphore, #tpu.memory_space<semaphore_mem>> -> memref<1x!tpu.dma_semaphore, #tpu.memory_space<semaphore_mem>>
          %dma_start3A_300 = tpu.memref_squeeze %dma_start3A_299 : memref<1x!tpu.dma_semaphore, #tpu.memory_space<semaphore_mem>> -> memref<!tpu.dma_semaphore, #tpu.memory_space<semaphore_mem>>
          %dma_start3A_301 = arith.constant 0 : i32
          %dma_start3A_302 = arith.constant 0 : i32
          %dma_start3A_303 = tpu.memref_slice %arg4[%mul3A_290, %dma_start3A_301, %dma_start3A_302] : memref<4096x56x384xf32, #tpu.memory_space<hbm>> -> memref<1x56x384xf32, #tpu.memory_space<hbm>>
          %dma_start3A_304 = arith.constant 0 : i32
          %dma_start3A_305 = arith.constant 0 : i32
          %dma_start3A_306 = arith.constant 0 : i32
          %dma_start3A_307 = tpu.memref_slice %run_scoped3A_8[%rem3A_288, %dma_start3A_304, %dma_start3A_305, %dma_start3A_306] : memref<2x1x56x384xf32, #tpu.memory_space<vmem>> -> memref<1x1x56x384xf32, #tpu.memory_space<vmem>>
          %dma_start3A_308 = tpu.memref_squeeze %dma_start3A_307 : memref<1x1x56x384xf32, #tpu.memory_space<vmem>> -> memref<1x56x384xf32, #tpu.memory_space<vmem>>
          tpu.enqueue_dma source(%dma_start3A_308 : memref<1x56x384xf32, #tpu.memory_space<vmem>>) target(%dma_start3A_303 : memref<1x56x384xf32, #tpu.memory_space<hbm>>) target_semaphore(%dma_start3A_300 : memref<!tpu.dma_semaphore, #tpu.memory_space<semaphore_mem>>)
          "tpu.trace_stop"() : () -> ()
        } else {
        }
        %and3A_234 = arith.constant true
        %and3A_235 = arith.andi %or3A_230, %and3A_234 : i1
        %add3A_236 = arith.constant 1 : i32
        %add3A_237 = arith.addi %scan3A_128, %add3A_236 : i32
        %select_n3A_238 = arith.select %and3A_235, %add3A_237, %scan3A_128 : i32
        %ne3A_239 = arith.cmpi ne, %add3A_135, %add3A_144 : i32
        %or3A_240 = arith.constant false
        %or3A_241 = arith.ori %or3A_240, %ne3A_239 : i1
        %or3A_242 = arith.constant false
        %or3A_243 = arith.ori %or3A_241, %or3A_242 : i1
        %not3A_244 = arith.constant true
        %not3A_245 = arith.xori %eq3A_132, %not3A_244 : i1
        %and3A_246 = arith.andi %or3A_243, %not3A_245 : i1
        %convert_element_type3A_247 = arith.extui %and3A_246 : i1 to i32
        %cond3A_248 = arith.constant 0 : i32
        %cond3A_249 = arith.cmpi ne, %convert_element_type3A_247, %cond3A_248 : i32
        scf.if %cond3A_249 {
        } else {
        }
        %and3A_250 = arith.constant false
        %and3A_251 = arith.andi %and3A_246, %and3A_250 : i1
        %ne3A_252 = arith.cmpi ne, %add3A_135, %add3A_144 : i32
        %or3A_253 = arith.constant false
        %or3A_254 = arith.ori %or3A_253, %ne3A_252 : i1
        %or3A_255 = arith.constant false
        %or3A_256 = arith.ori %or3A_254, %or3A_255 : i1
        %or3A_257 = arith.constant false
        %or3A_258 = arith.ori %or3A_256, %or3A_257 : i1
        %not3A_259 = arith.constant true
        %not3A_260 = arith.xori %eq3A_132, %not3A_259 : i1
        %and3A_261 = arith.andi %or3A_258, %not3A_260 : i1
        %convert_element_type3A_262 = arith.extui %and3A_261 : i1 to i32
        %cond3A_263 = arith.constant 0 : i32
        %cond3A_264 = arith.cmpi ne, %convert_element_type3A_262, %cond3A_263 : i32
        scf.if %cond3A_264 {
          "tpu.trace_start"() <{level = 10 : i32, message = "ep_wait_out"}> : () -> ()
          %rem3A_287 = arith.constant 2 : i32
          %rem3A_288 = arith.remui %scan3A_129, %rem3A_287 : i32
          %mul3A_289 = arith.constant 1 : i32
          %mul3A_290 = arith.muli %mul3A_289, %add3A_144 : i32
          %dma_wait3A_291 = arith.constant 0 : i32
          %dma_wait3A_292 = arith.constant 0 : i32
          %dma_wait3A_293 = arith.constant 0 : i32
          %dma_wait3A_294 = tpu.memref_slice %run_scoped3A_8[%rem3A_288, %dma_wait3A_291, %dma_wait3A_292, %dma_wait3A_293] : memref<2x1x56x384xf32, #tpu.memory_space<vmem>> -> memref<1x1x56x384xf32, #tpu.memory_space<vmem>>
          %dma_wait3A_295 = tpu.memref_squeeze %dma_wait3A_294 : memref<1x1x56x384xf32, #tpu.memory_space<vmem>> -> memref<1x56x384xf32, #tpu.memory_space<vmem>>
          %dma_wait3A_296 = arith.constant 0 : i32
          %dma_wait3A_297 = arith.constant 0 : i32
          %dma_wait3A_298 = tpu.memref_slice %arg4[%mul3A_290, %dma_wait3A_296, %dma_wait3A_297] : memref<4096x56x384xf32, #tpu.memory_space<hbm>> -> memref<1x56x384xf32, #tpu.memory_space<hbm>>
          %dma_wait3A_299 = tpu.memref_slice %run_scoped3A_9[%rem3A_288] : memref<2x!tpu.dma_semaphore, #tpu.memory_space<semaphore_mem>> -> memref<1x!tpu.dma_semaphore, #tpu.memory_space<semaphore_mem>>
          %dma_wait3A_300 = tpu.memref_squeeze %dma_wait3A_299 : memref<1x!tpu.dma_semaphore, #tpu.memory_space<semaphore_mem>> -> memref<!tpu.dma_semaphore, #tpu.memory_space<semaphore_mem>>
          %dma_wait3A_301 = arith.constant 0 : i32
          %dma_wait3A_302 = arith.constant 0 : i32
          %dma_wait3A_303 = tpu.memref_slice %arg4[%mul3A_290, %dma_wait3A_301, %dma_wait3A_302] : memref<4096x56x384xf32, #tpu.memory_space<hbm>> -> memref<1x56x384xf32, #tpu.memory_space<hbm>>
          %dma_wait3A_304 = arith.constant 0 : i32
          %dma_wait3A_305 = arith.constant 0 : i32
          %dma_wait3A_306 = arith.constant 0 : i32
          %dma_wait3A_307 = tpu.memref_slice %run_scoped3A_8[%rem3A_288, %dma_wait3A_304, %dma_wait3A_305, %dma_wait3A_306] : memref<2x1x56x384xf32, #tpu.memory_space<vmem>> -> memref<1x1x56x384xf32, #tpu.memory_space<vmem>>
          %dma_wait3A_308 = tpu.memref_squeeze %dma_wait3A_307 : memref<1x1x56x384xf32, #tpu.memory_space<vmem>> -> memref<1x56x384xf32, #tpu.memory_space<vmem>>
          tpu.wait_dma2 semaphore(%dma_wait3A_300 : memref<!tpu.dma_semaphore, #tpu.memory_space<semaphore_mem>>) src(%dma_wait3A_308 : memref<1x56x384xf32, #tpu.memory_space<vmem>>) dst(%dma_wait3A_303 : memref<1x56x384xf32, #tpu.memory_space<hbm>>)
          "tpu.trace_stop"() : () -> ()
        } else {
        }
        %and3A_265 = arith.constant true
        %and3A_266 = arith.andi %and3A_261, %and3A_265 : i1
        %add3A_267 = arith.constant 1 : i32
        %add3A_268 = arith.addi %scan3A_129, %add3A_267 : i32
        %select_n3A_269 = arith.select %and3A_266, %add3A_268, %scan3A_129 : i32
        %ne3A_270 = arith.cmpi ne, %add3A_135, %add3A_153 : i32
        %or3A_271 = arith.constant false
        %or3A_272 = arith.ori %or3A_271, %ne3A_270 : i1
        %or3A_273 = arith.constant false
        %or3A_274 = arith.ori %or3A_272, %or3A_273 : i1
        %or3A_275 = arith.ori %or3A_274, %eq3A_134 : i1
        %add3A_276 = arith.constant 1 : i32
        %add3A_277 = arith.addi %scan3A_127, %add3A_276 : i32
        %select_n3A_278 = arith.select %or3A_275, %add3A_277, %scan3A_127 : i32
        %add3A_279 = arith.constant 1 : i32
        %add3A_280 = arith.addi %scan3A_130, %add3A_279 : i32
        %select_n3A_281 = arith.constant true
        %select_n3A_282 = arith.select %select_n3A_281, %add3A_280, %scan3A_130 : i32
        %eq3A_283 = arith.constant 128 : i32
        %eq3A_284 = arith.cmpi eq, %select_n3A_282, %eq3A_283 : i32
        %select_n3A_285 = arith.constant 0 : i32
        %select_n3A_286 = arith.select %eq3A_284, %select_n3A_285, %select_n3A_282 : i32
        scf.yield %select_n3A_173, %select_n3A_278, %select_n3A_238, %select_n3A_269, %select_n3A_286 : i32, i32, i32, i32, i32
      }
      %scan3A_68 = arith.constant 128 : i32
      %sub3A = arith.constant 1 : i32
      %sub3A_69 = arith.subi %scan3A_67#4, %sub3A : i32
      %select_n3A_70 = arith.constant true
      %select_n3A_71 = arith.select %select_n3A_70, %sub3A_69, %scan3A_67#4 : i32
      %eq3A_72 = arith.constant -1 : i32
      %eq3A_73 = arith.cmpi eq, %select_n3A_71, %eq3A_72 : i32
      %select_n3A_74 = arith.constant 127 : i32
      %select_n3A_75 = arith.select %eq3A_73, %select_n3A_74, %select_n3A_71 : i32
      %add3A_76 = arith.addi %select_n3A_75, %mul3A_6 : i32
      %sub3A_77 = arith.constant 1 : i32
      %sub3A_78 = arith.subi %select_n3A_75, %sub3A_77 : i32
      %select_n3A_79 = arith.constant true
      %select_n3A_80 = arith.select %select_n3A_79, %sub3A_78, %select_n3A_75 : i32
      %eq3A_81 = arith.constant -1 : i32
      %eq3A_82 = arith.cmpi eq, %select_n3A_80, %eq3A_81 : i32
      %select_n3A_83 = arith.constant 127 : i32
      %select_n3A_84 = arith.select %eq3A_82, %select_n3A_83, %select_n3A_80 : i32
      %add3A_85 = arith.addi %select_n3A_84, %mul3A_6 : i32
      %add3A_86 = arith.constant 1 : i32
      %add3A_87 = arith.addi %select_n3A_75, %add3A_86 : i32
      %select_n3A_88 = arith.constant true
      %select_n3A_89 = arith.select %select_n3A_88, %add3A_87, %select_n3A_75 : i32
      %eq3A_90 = arith.constant 128 : i32
      %eq3A_91 = arith.cmpi eq, %select_n3A_89, %eq3A_90 : i32
      %select_n3A_92 = arith.constant 0 : i32
      %select_n3A_93 = arith.select %eq3A_91, %select_n3A_92, %select_n3A_89 : i32
      %add3A_94 = arith.addi %select_n3A_93, %mul3A_6 : i32
      %add3A_95 = arith.constant 1 : i32
      %add3A_96 = arith.addi %select_n3A_93, %add3A_95 : i32
      %select_n3A_97 = arith.constant true
      %select_n3A_98 = arith.select %select_n3A_97, %add3A_96, %select_n3A_93 : i32
      %eq3A_99 = arith.constant 128 : i32
      %eq3A_100 = arith.cmpi eq, %select_n3A_98, %eq3A_99 : i32
      %select_n3A_101 = arith.constant 0 : i32
      %select_n3A_102 = arith.select %eq3A_100, %select_n3A_101, %select_n3A_98 : i32
      %add3A_103 = arith.addi %select_n3A_102, %mul3A_6 : i32
      "tpu.trace_start"() <{level = 10 : i32, message = "ep_finalize"}> : () -> ()
      %rem3A_104 = arith.constant 2 : i32
      %rem3A_105 = arith.remui %scan3A_67#3, %rem3A_104 : i32
      %mul3A_106 = arith.constant 1 : i32
      %mul3A_107 = arith.muli %mul3A_106, %add3A_76 : i32
      %dma_wait3A = arith.constant 0 : i32
      %dma_wait3A_108 = arith.constant 0 : i32
      %dma_wait3A_109 = arith.constant 0 : i32
      %dma_wait3A_110 = tpu.memref_slice %run_scoped3A_8[%rem3A_105, %dma_wait3A, %dma_wait3A_108, %dma_wait3A_109] : memref<2x1x56x384xf32, #tpu.memory_space<vmem>> -> memref<1x1x56x384xf32, #tpu.memory_space<vmem>>
      %dma_wait3A_111 = tpu.memref_squeeze %dma_wait3A_110 : memref<1x1x56x384xf32, #tpu.memory_space<vmem>> -> memref<1x56x384xf32, #tpu.memory_space<vmem>>
      %dma_wait3A_112 = arith.constant 0 : i32
      %dma_wait3A_113 = arith.constant 0 : i32
      %dma_wait3A_114 = tpu.memref_slice %arg4[%mul3A_107, %dma_wait3A_112, %dma_wait3A_113] : memref<4096x56x384xf32, #tpu.memory_space<hbm>> -> memref<1x56x384xf32, #tpu.memory_space<hbm>>
      %dma_wait3A_115 = tpu.memref_slice %run_scoped3A_9[%rem3A_105] : memref<2x!tpu.dma_semaphore, #tpu.memory_space<semaphore_mem>> -> memref<1x!tpu.dma_semaphore, #tpu.memory_space<semaphore_mem>>
      %dma_wait3A_116 = tpu.memref_squeeze %dma_wait3A_115 : memref<1x!tpu.dma_semaphore, #tpu.memory_space<semaphore_mem>> -> memref<!tpu.dma_semaphore, #tpu.memory_space<semaphore_mem>>
      %dma_wait3A_117 = arith.constant 0 : i32
      %dma_wait3A_118 = arith.constant 0 : i32
      %dma_wait3A_119 = tpu.memref_slice %arg4[%mul3A_107, %dma_wait3A_117, %dma_wait3A_118] : memref<4096x56x384xf32, #tpu.memory_space<hbm>> -> memref<1x56x384xf32, #tpu.memory_space<hbm>>
      %dma_wait3A_120 = arith.constant 0 : i32
      %dma_wait3A_121 = arith.constant 0 : i32
      %dma_wait3A_122 = arith.constant 0 : i32
      %dma_wait3A_123 = tpu.memref_slice %run_scoped3A_8[%rem3A_105, %dma_wait3A_120, %dma_wait3A_121, %dma_wait3A_122] : memref<2x1x56x384xf32, #tpu.memory_space<vmem>> -> memref<1x1x56x384xf32, #tpu.memory_space<vmem>>
      %dma_wait3A_124 = tpu.memref_squeeze %dma_wait3A_123 : memref<1x1x56x384xf32, #tpu.memory_space<vmem>> -> memref<1x56x384xf32, #tpu.memory_space<vmem>>
      tpu.wait_dma2 semaphore(%dma_wait3A_116 : memref<!tpu.dma_semaphore, #tpu.memory_space<semaphore_mem>>) src(%dma_wait3A_124 : memref<1x56x384xf32, #tpu.memory_space<vmem>>) dst(%dma_wait3A_119 : memref<1x56x384xf32, #tpu.memory_space<hbm>>)
      "tpu.trace_stop"() : () -> ()
      tpu.yield
    }) : () -> ()
    return
  }
}

module attributes {stable_mosaic.version = 14 : i64} {
  func.func @body(%arg0: i32, %arg1: memref<2000x300xf32, #tpu.memory_space<vmem>>, %arg2: memref<2000x384xf32, #tpu.memory_space<vmem>>) attributes {dimension_semantics = [#tpu.dimension_semantics<arbitrary>], iteration_bounds = array<i64: 53>, scalar_prefetch = 0 : i64, scratch_operands = 0 : i64, tpu.core_type = #tpu.core_type<tc>, window_params = [{transform_indices = @transform_0, window_bounds = array<i64: 2000, 300>}, {transform_indices = @transform_1, window_bounds = array<i64: 2000, 384>}]} {
    %mul3A = arith.constant 2000 : i32
    %mul3A_0 = arith.muli %arg0, %mul3A : i32
    %iota3A = tpu.iota {dimensions = array<i32: 0>} : vector<2000x384xi32>
    %add3A = vector.broadcast %mul3A_0 : i32 to vector<2000x384xi32>
    %add3A_1 = arith.addi %add3A, %iota3A : vector<2000x384xi32>
    %get3A = arith.constant 0 : index
    %get3A_2 = arith.constant 0 : index
    %get3A_3 = vector.load %arg1[%get3A, %get3A_2] : memref<2000x300xf32, #tpu.memory_space<vmem>>, vector<2000x300xf32>
    %broadcast_in_dim3A = arith.constant 0.000000e+00 : f32
    %broadcast_in_dim3A_4 = vector.broadcast %broadcast_in_dim3A : f32 to vector<2000x84xf32>
    %concatenate3A = tpu.concatenate %get3A_3, %broadcast_in_dim3A_4 in 1 : vector<2000x300xf32>, vector<2000x84xf32> -> vector<2000x384xf32>
    %lt3A = arith.constant 100000 : i32
    %lt3A_5 = vector.broadcast %lt3A : i32 to vector<2000x384xi32>
    %lt3A_6 = arith.cmpi slt, %add3A_1, %lt3A_5 : vector<2000x384xi32>
    %jit3A = arith.constant 0.000000e+00 : f32
    %broadcast_in_dim3A_7 = vector.broadcast %jit3A : f32 to vector<2000x384xf32>
    %select_n3A = arith.select %lt3A_6, %concatenate3A, %broadcast_in_dim3A_7 : vector<2000x384xi1>, vector<2000x384xf32>
    %swap3A = arith.constant 0 : index
    %swap3A_8 = arith.constant 0 : index
    %swap3A_9 = vector.load %arg2[%swap3A, %swap3A_8] : memref<2000x384xf32, #tpu.memory_space<vmem>>, vector<2000x384xf32>
    tpu.vector_store %arg2[%swap3A, %swap3A_8], %select_n3A {strides = array<i32>} : memref<2000x384xf32, #tpu.memory_space<vmem>>, vector<2000x384xf32>,
    return
  }
  func.func @transform_0(%arg0: i32) -> (i32, i32) {
    %min3A = arith.constant 49 : i32
    %min3A_0 = arith.minsi %arg0, %min3A : i32
    %c0_i32 = arith.constant 0 : i32
    %c0_i32_1 = arith.constant 0 : i32
    return %min3A_0, %c0_i32 : i32, i32
  }
  func.func @transform_1(%arg0: i32) -> (i32, i32) {
    %c0_i32 = arith.constant 0 : i32
    %c0_i32_0 = arith.constant 0 : i32
    return %arg0, %c0_i32 : i32, i32
  }
}

module attributes {stable_mosaic.version = 14 : i64} {
  func.func @body(%arg0: memref<4096x50xi32, #tpu.memory_space<vmem>>, %arg1: memref<4096x1xi32, #tpu.memory_space<vmem>>, %arg2: memref<4096x50xf32, #tpu.memory_space<vmem>>, %arg3: memref<4096x56xi32, #tpu.memory_space<vmem>>) attributes {dimension_semantics = [], scalar_prefetch = 0 : i64, scratch_operands = 0 : i64, tpu.core_type = #tpu.core_type<tc>} {
    %iota3A = tpu.iota {dimensions = array<i32: 1>} : vector<4096x50xi32>
    %get3A = arith.constant 0 : index
    %get3A_0 = arith.constant 0 : index
    %get3A_1 = vector.load %arg1[%get3A, %get3A_0] : memref<4096x1xi32, #tpu.memory_space<vmem>>, vector<4096x1xi32>
    %lt3A = vector.broadcast %get3A_1 : vector<4096x1xi32> to vector<4096x50xi32>
    %lt3A_2 = arith.cmpi slt, %iota3A, %lt3A : vector<4096x50xi32>
    %convert_element_type3A = arith.extui %lt3A_2 : vector<4096x50xi1> to vector<4096x50xi32>
    %convert_element_type3A_3 = arith.sitofp %convert_element_type3A : vector<4096x50xi32> to vector<4096x50xf32>
    %swap3A = arith.constant 0 : index
    %swap3A_4 = arith.constant 0 : index
    %swap3A_5 = vector.load %arg2[%swap3A, %swap3A_4] : memref<4096x50xf32, #tpu.memory_space<vmem>>, vector<4096x50xf32>
    tpu.vector_store %arg2[%swap3A, %swap3A_4], %convert_element_type3A_3 {strides = array<i32>} : memref<4096x50xf32, #tpu.memory_space<vmem>>, vector<4096x50xf32>,
    %iota3A_6 = tpu.iota {dimensions = array<i32: 1>} : vector<4096x56xi32>
    %iota3A_7 = tpu.iota {dimensions = array<i32: 0>} : vector<4096x56xi32>
    %get3A_8 = arith.constant 0 : index
    %get3A_9 = arith.constant 0 : index
    %get3A_10 = vector.load %arg1[%get3A_8, %get3A_9] : memref<4096x1xi32, #tpu.memory_space<vmem>>, vector<4096x1xi32>
    %lt3A_11 = vector.broadcast %get3A_10 : vector<4096x1xi32> to vector<4096x56xi32>
    %lt3A_12 = arith.cmpi slt, %iota3A_6, %lt3A_11 : vector<4096x56xi32>
    %get3A_13 = arith.constant 0 : index
    %get3A_14 = arith.constant 0 : index
    %get3A_15 = vector.load %arg0[%get3A_13, %get3A_14] : memref<4096x50xi32, #tpu.memory_space<vmem>>, vector<4096x50xi32>
    %broadcast_in_dim3A = arith.constant 0 : i32
    %broadcast_in_dim3A_16 = vector.broadcast %broadcast_in_dim3A : i32 to vector<4096x6xi32>
    %concatenate3A = tpu.concatenate %get3A_15, %broadcast_in_dim3A_16 in 1 : vector<4096x50xi32>, vector<4096x6xi32> -> vector<4096x56xi32>
    %mul3A = arith.constant 56 : i32
    %mul3A_17 = vector.broadcast %mul3A : i32 to vector<4096x56xi32>
    %mul3A_18 = arith.muli %iota3A_7, %mul3A_17 : vector<4096x56xi32>
    %add3A = arith.addi %mul3A_18, %iota3A_6 : vector<4096x56xi32>
    %and3A = arith.constant 4095 : i32
    %and3A_19 = vector.broadcast %and3A : i32 to vector<4096x56xi32>
    %and3A_20 = arith.andi %add3A, %and3A_19 : vector<4096x56xi32>
    %add3A_21 = arith.constant 100000 : i32
    %add3A_22 = vector.broadcast %add3A_21 : i32 to vector<4096x56xi32>
    %add3A_23 = arith.addi %add3A_22, %and3A_20 : vector<4096x56xi32>
    %select_n3A = arith.select %lt3A_12, %concatenate3A, %add3A_23 : vector<4096x56xi1>, vector<4096x56xi32>
    %swap3A_24 = arith.constant 0 : index
    %swap3A_25 = arith.constant 0 : index
    %swap3A_26 = vector.load %arg3[%swap3A_24, %swap3A_25] : memref<4096x56xi32, #tpu.memory_space<vmem>>, vector<4096x56xi32>
    tpu.vector_store %arg3[%swap3A_24, %swap3A_25], %select_n3A {strides = array<i32>} : memref<4096x56xi32, #tpu.memory_space<vmem>>, vector<4096x56xi32>,
    return
  }
}

</mosaic_0001>

<sc_bundles>
// kernel: kernel.5.cloned.1.call-start
scs
__scs_entry_jumppad:
0x0: {  	(pc) =	sbr.rel $0x88, $3  }
0x1: {  	(tag) =	ssettag $0x0;
	lr =	simm.s32 $0x1  }
0x2: {  	[smem:$0x3F9E] =	sst lr;
	_ =	strace $0xD0000000  }
0x3: {  	_ = 	snop  }
0x4: {  	_ = 	snop  }
0x5: {  	_ = 	snop  }
0x6: {  	_ = 	snop  }
0x7: {  	_ = 	snop  }
__scs_overlays_trampoline_lowered:
0x8: {  	[smem:$0x3FAD] =	sst s0  }
0x9: {  	[smem:$0x3FAE] =	sst s1  }
0xa: {  	[smem:$0x3FAF] =	sst s2  }
0xb: {  	[smem:$0x3FB0] =	sst s3  }
0xc: {  	[smem:$0x3FB1] =	sst s4  }
0xd: {  	[smem:$0x3FB2] =	sst s5  }
0xe: {  	[smem:$0x3FB3] =	sst s6  }
0xf: {  	[smem:$0x3FB4] =	sst s7  }
0x10: {  	[smem:$0x3FB5] =	sst s8  }
0x11: {  	[smem:$0x3FB6] =	sst s9;
	s0 =	simm.s32 @!p0 $0x0  }
0x12: {  	s1 =	sld [smem:$0x3F9C];
	s0 =	simm.s32 @p0 $0x1  }
0x13: {  	[smem:$0x3FB7] =	sst s0;
	s0 =	simm.s32 @!p1 $0x0  }
0x14: {  	s2 =	sld [smem:$0x3F9B];
	s0 =	simm.s32 @p1 $0x1  }
0x15: {  	[smem:$0x3FB8] =	sst s0;
	s0 =	simm.s32 @!p2 $0x0  }
0x16: {  	s3 =	sld [smem:$0x3FDB];
	s0 =	simm.s32 @p2 $0x1  }
0x17: {  	s4 =	simm.s32 $0x1BF5;
	[smem:$0x3FBA] =	sst s0  }
0x18: {  	s0 =	sld [smem:$0x3F9D];
	_ =	swait.ge [sflag:s4], $0x0  }
0x19: {  	s7 =	sld [smem:$0x3F9E]  }
0x1a: {  	s8 =	sadd.s32 $0xFFFFE003, lr  }
0x1b: {  	s9 =	sadd.s32 $0xFFFFFEF7, lr;
	s5 =	simm.s32 $0xFFFFFFFF;
	p2 =	slt.u32 s8, $0xFFFFF086  }
0x1c: {  	p1 =	slt.u32 s9, $0xF7A;
	s5 =	simm.s32 @!p2 $0x0  }
0x1d: {  	s5 =	simm.s32 @p1 $0x1;
	p0 =	seq.s32 s7, s2  }
0x1e: {  	s7 =	smul.u32 @!p0 $0xF7A, s2;
	p2 =	seq.s32 @!p0 s5, $0x0  }
0x1f: {  	s9 =	smul.u32 $0xF7A, s1;
	s8 =	simm.s32 @!p0 $0x1BF5;
	p2 =	por !p2, p0  }
0x20: {  	[sflag:s8] =	ssyncset.s32 @!p0 $0xFFFFF086;
	s6 =	sadd.s32 @!p0 s3, s7;
	s7 =	simm.s32 @!p0 $0x108  }
0x21: {  	s3 =	sadd.s32 s3, s9;
	s6 =	sadd.s32 @!p0 $0x88, s6;
	s7 =	simm.s32 @p2 $0x1082  }
0x22: {  	[simem:s7], [sflag:s8] =	dma.local @!p0 [hbm:s6], $0xF7A  }
0x23: {  	s9 =	sor.u32 $0xD0000000, s2;
	s6 =	simm.s32 $0x108;
	_ =	swait.ge @!p0 [sflag:s8], $0x0  }
0x24: {  	s3 =	sadd.s32 $0x88, s3;
	s6 =	simm.s32 @!p1 $0x1082;
	[sflag:s4] =	ssyncset.s32 $0xFFFFF086  }
0x25: {  	[simem:s6], [sflag:s4] =	dma.local [hbm:s3], $0xF7A  }
0x26: {  	[smem:$0x3F9E] =	sst s1;
	(tag) =	ssettag s2;
	_ =	strace s9  }
0x27: {  	s1 =	sld [smem:$0x3FAE]  }
0x28: {  	s2 =	sld [smem:$0x3FAF]  }
0x29: {  	s4 =	sld [smem:$0x3FB1]  }
0x2a: {  	p0 =	seq.s32 s5, $0x0;
	s5 =	sld [smem:$0x3FB2]  }
0x2b: {  	s6 =	sld [smem:$0x3FB3]  }
0x2c: {  	s7 =	sld [smem:$0x3FB4]  }
0x2d: {  	s3 =	simm.s32 $0x108;
	s8 =	sld [smem:$0x3FB5]  }
0x2e: {  	s3 =	simm.s32 @!p0 $0x1082;
	s9 =	sld [smem:$0x3FB6]  }
0x2f: {  	lr =	sadd.s32 s0, s3;
	s0 =	sld [smem:$0x3FAD]  }
0x30: {  	s3 =	sld [smem:$0x3FB0]  }
0x31: {  	[smem:$0x3FB9] =	sst s10  }
0x32: {  	s10 =	sld [smem:$0x3FB7];
	_ =	sdelay $0x3  }
0x33: {  	p0 =	seq.s32 s10, $0x1;
	s10 =	sld [smem:$0x3FB9];
	_ =	sdelay $0x3  }
0x34: {  	[smem:$0x3FB9] =	sst s10  }
0x35: {  	s10 =	sld [smem:$0x3FB8];
	_ =	sdelay $0x3  }
0x36: {  	p1 =	seq.s32 s10, $0x1;
	s10 =	sld [smem:$0x3FB9];
	_ =	sdelay $0x3  }
0x37: {  	[smem:$0x3FB9] =	sst s10  }
0x38: {  	s10 =	sld [smem:$0x3FBA]  }
0x39: {  	_ = 	snop;
	(pc) =	sbr.ind lr, $3  }
0x3a: {  	_ = 	snop  }
0x3b: {  	_ = 	snop  }
0x3c: {  	p2 =	seq.s32 s10, $0x1;
	s10 =	sld [smem:$0x3FB9]  }
0x3d: {  	_ =	shalt  }
0x3e: {  	_ =	shalt  }
0x3f: {  	_ =	shalt  }
0x40: {  	_ =	shalt  }
0x41: {  	_ =	shalt  }
0x42: {  	_ =	shalt  }
0x43: {  	_ =	shalt  }
0x44: {  	_ =	shalt  }
0x45: {  	_ =	shalt  }
0x46: {  	_ =	shalt  }
0x47: {  	_ =	shalt  }
0x48: {  	_ =	shalt  }
0x49: {  	_ =	shalt  }
0x4a: {  	_ =	shalt  }
0x4b: {  	_ =	shalt  }
0x4c: {  	_ =	shalt  }
0x4d: {  	_ =	shalt  }
0x4e: {  	_ =	shalt  }
0x4f: {  	_ =	shalt  }
0x50: {  	_ =	shalt  }
0x51: {  	_ =	shalt  }
0x52: {  	_ =	shalt  }
0x53: {  	_ =	shalt  }
0x54: {  	_ =	shalt  }
0x55: {  	_ =	shalt  }
0x56: {  	_ =	shalt  }
0x57: {  	_ =	shalt  }
0x58: {  	_ =	shalt  }
0x59: {  	_ =	shalt  }
0x5a: {  	_ =	shalt  }
0x5b: {  	_ =	shalt  }
0x5c: {  	_ =	shalt  }
0x5d: {  	_ =	shalt  }
0x5e: {  	_ =	shalt  }
0x5f: {  	_ =	shalt  }
0x60: {  	_ =	shalt  }
0x61: {  	_ =	shalt  }
0x62: {  	_ =	shalt  }
0x63: {  	_ =	shalt  }
0x64: {  	_ =	shalt  }
0x65: {  	_ =	shalt  }
0x66: {  	_ =	shalt  }
0x67: {  	_ =	shalt  }
0x68: {  	_ =	shalt  }
0x69: {  	_ =	shalt  }
0x6a: {  	_ =	shalt  }
0x6b: {  	_ =	shalt  }
0x6c: {  	_ =	shalt  }
0x6d: {  	_ =	shalt  }
0x6e: {  	_ =	shalt  }
0x6f: {  	_ =	shalt  }
0x70: {  	_ =	shalt  }
0x71: {  	_ =	shalt  }
0x72: {  	_ =	shalt  }
0x73: {  	_ =	shalt  }
0x74: {  	_ =	shalt  }
0x75: {  	_ =	shalt  }
0x76: {  	_ =	shalt  }
0x77: {  	_ =	shalt  }
0x78: {  	_ =	shalt  }
0x79: {  	_ =	shalt  }
0x7a: {  	_ =	shalt  }
0x7b: {  	_ =	shalt  }
0x7c: {  	_ =	shalt  }
0x7d: {  	_ =	shalt  }
0x7e: {  	_ =	shalt  }
0x7f: {  	_ =	shalt  }
0x80: {  	_ =	shalt  }
0x81: {  	_ =	shalt  }
0x82: {  	_ =	shalt  }
0x83: {  	_ =	shalt  }
0x84: {  	_ =	shalt  }
0x85: {  	_ =	shalt  }
0x86: {  	_ =	shalt  }
0x87: {  	_ =	shalt  }
.Lfunc_end0:
.L_simem_size_0:
called_computation.1_lowered:
.L_overlay_start_0:
0x88: {  	s2 =	sld [smem:$0x3FD9]  }
0x89: {  	s3 =	sld [smem:$0x3FFE];
	_ =	sdelay $0x1  }
0x8a: {  	s1 =	srdreg.scid  }
0x8b: {  	s0 =	sand.u32 $0x1, s1  }
0x8c: {  	s14 =	sshll.u32 s0, $0xA;
	s2 =	sadd.s32 s3, s2  }
0x8d: {  	s2 =	sadd.s32 s2, s14  }
0x8e: {  	[smem:$0x3FC5] =	sst s2  }
0x8f: {  	_ = 	snop  }
0x90: {  	s2 =	sld [smem:$0x3FD0];
	_ =	sdelay $0x2  }
0x91: {  	s15 =	simm.s32 $0xA;
	s4 =	simm.s32 $0x10  }
0x92: {  	[smem:s4], [sflag:s15] =	dma.local [hbm:s2], $0x1  }
0x93: {  	_ =	swait.eq [sflag:s15], $0x1  }
0x94: {  	[sflag:s15] =	ssyncset.done $0x0  }
0x95: {  	[sflag:s15] =	ssyncadd.s32 $0xFFFFFFFF  }
0x96: {  	s16 =	sld [smem:$0x10];
	(tm) =	ssettm $0x1  }
0x97: {  	s17 =	sld [smem:$0x3FFB];
	_ =	sdelay $0x3  }
0x98: {  	_ =	strace s17  }
0x99: {  	s3 =	sld [smem:$0x3FFC];
	_ =	sdelay $0x3  }
0x9a: {  	_ =	strace s3  }
0x9b: {  	s3 =	sld [smem:$0x3FFD];
	_ =	sdelay $0x3  }
0x9c: {  	_ =	strace s3  }
0x9d: {  	_ =	strace $0x8FFFFFFF  }
0x9e: {  	s18 =	sld [smem:$0x3FDB];
	_ =	sdelay $0x1  }
0x9f: {  	s19 =	simm.s32 $_scs_section_size  }
0xa0: {  	s5 =	simm.s32 $_size__tile_overlayer_lowered;
	s6 =	simm.s32 $_tile_overlayer_lowered  }
0xa1: {  	s22 =	simm.s32 $0x1BFF;
	s21 =	sshll.u32 s6, $0x1;
	s3 =	sadd.s32 s19, s18  }
0xa2: {  	s7 =	simm.s32 $0x0;
	s20 =	sshll.u32 s5, $0x1;
	s5 =	sadd.s32 s21, s3  }
0xa3: {  	[timem:s7], [sflag:s22] =	dma.local [hbm:s5], s20  }
0xa4: {  	_ =	swait.ge [sflag:s22], s20  }
0xa5: {  	s4 =	ssub.s32 $0x0, s20;
	[sflag:s22] =	ssyncset.done $0x0  }
0xa6: {  	[sflag:s22] =	ssyncadd.s32 s4;
	_ =	sdelay $0x1  }
0xa7: {  	s23 =	simm.s32 $0x1B8B  }
0xa8: {  	_ =	swait.ge [sflag:s23], $0x1  }
0xa9: {  	[sflag:s23] =	ssyncset.done $0x0  }
0xaa: {  	s25 =	simm.s32 $0x1B8E;
	s24 =	sld [smem:$0x3FFE];
	[sflag:s23] =	ssyncadd.s32 $0xFFFFFFFF  }
0xab: {  	s26 =	simm.s32 $execute0_lowered;
	[smem:$0x3FD2] =	sst s25  }
0xac: {  	s5 =	sshll.u32 s26, $0x1;
	_ =	strace $0x80000046;
	[dreg:$0x1] =	wrdreg $0xFFFFFFFF  }
0xad: {  	s28 =	simm.s32 $_size_execute0_lowered;
	s3 =	sadd.s32 s3, s5;
	[dreg:$0x0] =	wrdreg $0x0  }
0xae: {  	s5 =	sshll.u32 s28, $0x1;
	[dreg:$0x2] =	wrdreg s3  }
0xaf: {  	[dreg:$0x3] =	wrdreg s5  }
0xb0: {  	[dreg:$0x4] =	wrdreg $0xC0  }
0xb1: {  	_ =	task [dreg:s7], $0x5FFFF  }
0xb2: {  	[dreg:$0x1] =	wrdreg $0xFFFFFFFF  }
0xb3: {  	[dreg:$0x0] =	wrdreg $0x60  }
0xb4: {  	[dreg:$0x2] =	wrdreg s16  }
0xb5: {  	[dreg:$0x3] =	wrdreg s24  }
0xb6: {  	[dreg:$0x4] =	wrdreg $0x9  }
0xb7: {  	_ =	task.clear_ibuf [dreg:s7], $0x5FFFF;
	_ =	strace $0x90000046  }
0xb8: {  	s29 =	simm.s32 $0x9;
	_ =	strace $0x8000004F  }
0xb9: {  	_ =	swait.ge [sflag:s29], $0x1  }
0xba: {  	[sflag:s29] =	ssyncadd.s32 $0xFFFFFFFF  }
0xbb: {  	_ =	strace $0x9000004F  }
0xbc: {  	_ =	sfence  }
0xbd: {  	s30 =	sld [smem:$0x0];
	_ =	sdelay $0x2  }
0xbe: {  	s31 =	sshll.u32 s1, $0xD;
	s1 =	sshrl.u32 s1, $0x2  }
0xbf: {  	s3 =	sand.u32 $0x4000, s31;
	s1 =	sadd.s32 s1, s30  }
0xc0: {  	s0 =	sor.u32 s3, s0;
	s1 =	sshll.u32 s1, $0x11  }
0xc1: {  	s0 =	sor.u32 s1, s0  }
0xc2: {  	s0 =	sadd.s32 $0x8F2B, s0  }
0xc3: {  	[sflag:s0] =	ssyncadd.remote.s32 $0x1  }
0xc4: {  	_ =	sfence.sel $0xFFFF  }
0xc5: {  	[dreg:$0x0] =	wrdreg $0xFFFFFFFF;
	(pc) =	sbr.abs _section_cstart, $3  }
0xc6: {  	[dreg:$0x1] =	wrdreg $0xFFFFFFFF  }
0xc7: {  	_ =	task.clear_ibuf [dreg:s7], $0x2FFFF;
	_ =	strace $0x9FFFFFFF  }
0xc8: {  	(tm) =	ssettm $0x7FFFFFFF  }
0xc9: {  	_ =	shalt  }
tec
execute0_lowered:
.L_overlay_start_1:
0x0: {  	(tag) =	ssettag $0x1  }
0x1: {  	s1 =	rddreg [dreg:$0x0]  }
0x2: {  	s5 =	rddreg [dreg:$0x1]  }
0x3: {  	s0 =	rddreg [dreg:$0x2]  }
0x4: {  	s3 =	simm.s32 $0x0;
	s4 =	srdreg.scid;
	s2 =	stileid.u32  }
0x5: {  	s10 =	simm.s32 $0x0;
	[smem:$0x7FF] =	sst s3;
	s6 =	sand.u32 $0x1, s4  }
0x6: {  	s4 =	sadd.s32 $0x1400, s5;
	s8 =	sshll.u32 s2, $0x7;
	s9 =	sadd.s32 $0x21400, s5  }
0x7: {  	_ =	strace $0x80000047;
	s7 =	sshll.u32 s6, $0xB;
	s6 =	ssub.s32 $0x2, s6  }
0x8: {  	v2 =	vlaneseq.u32;
	[dreg:$0x3] =	wrdreg s9;
	s5 =	sor.u32 s8, s7;
	s30 =	sshrl.u32 s6, $0x1  }
0x9: {  	vm0 =	vmmov $0xffff;
	vm1 =	vmmov $0xff;
	v1 =	vshrl.u32 v2, $0x3;
	s9 =	simm.s32 $0x5;
	s8 =	sshll.u32 s5, $0x4;
	s31 =	ssub.s32 s6, s30  }
0xa: {  	v0 =	vand.u32 $0x7, v2;
	v2 =	vor.u32 $0x8, v2;
	v1 =	vmul.u32 $0x8, v1;
	s7 =	sadd.s32 $0x100, s1;
	s6 =	sadd.s32 s4, s8;
	s8 =	smax.u32 s31, $0x1  }
.LBB2_1:
0xb: {  	_ =	strace $0x80000048;
	s11 =	simm.s32 $0x80  }
0xc: {  	s13 =	simm.s32 $0x0;
	s12 =	simm.s32 $0x0;
	s14 =	simm.s32 $0x0  }
0xd: {  	[tilespmem:s3], [sflag:$0x1] =	stream.linear.gather [hbm4b:s6+s3], $0x80, $0x200038;
	[tilespmem:$0xA900] =	vst v63  }
0xe: {  	s15 =	simm.s32 $0x0;
	s16 =	simm.s32 $0x1;
	_ =	strace $0x90000048  }
.LBB2_2:
0xf: {  	s17 =	smov.u32 s13;
	s13 =	sadd.s32 $0x1, s13  }
0x10: {  	p0 =	seq.s32 s13, $0x80  }
0x11: {  	s13 =	simm.s32 @p0 $0x0  }
0x12: {  	p6 =	sne.s32 s11, $0x1;
	p1 =	sne.s32 s17, s13  }
0x13: {  	p0 =	por !p6, !p1  }
0x14: {  	p0 =	por !p0, !p0  }
0x15: {  	s18 =	sadd.s32 @p0 s5, s13  }
0x16: {  	s19 =	sshll.u32 @p0 s13, $0x7;
	s18 =	sshll.u32 @p0 s18, $0x7  }
0x17: {  	s19 =	sand.u32 @p0 $0x380, s19;
	s18 =	sand.u32 @p0 $0xFFFFFC00, s18  }
0x18: {  	_ =	strace @p0 $0x80000049;
	s18 =	sor.u32 @p0 s19, s18  }
0x19: {  	s21 =	simm.s32 @p0 $0x0;
	s19 =	sand.u32 @p0 $0x1, s16;
	s18 =	sshrl.u32 @p0 s18, $0x3  }
0x1a: {  	s20 =	sshll.u32 @p0 s19, $0x7;
	s19 =	sadd.s32 @p0 $0x1, s19;
	s18 =	sadd.s32 @p0 s4, s18  }
0x1b: {  	[tilespmem:s20], [sflag:s19] =	stream.linear.gather @p0 [hbm4b:s18+s21], $0x80, $0x200038;
	[tilespmem:$0xA900] =	vst v63  }
0x1c: {  	s24 =	sand.u32 $0x1, s15;
	_ =	strace @p0 $0x90000049  }
0x1d: {  	s18 =	sadd.s32 $0x1, s24;
	_ =	strace $0x8000004A  }
0x1e: {  	_ =	swait.ge [sflag:s18], $0x80  }
0x1f: {  	[sflag:s18] =	ssyncset.done $0x0  }
0x20: {  	[sflag:s18] =	ssyncadd.s32 $0xFFFFFF80  }
0x21: {  	s25 =	sshll.u32 s15, $0x7;
	_ =	strace $0x9000004A  }
0x22: {  	s20 =	sand.u32 $0x80, s25;
	_ =	strace $0x8000004B  }
0x23: {  	v3 =	vld [tilespmem:s20+$0x0];
	_ =	sdelay $0x4  }
0x24: {  	v4 =	vshrl.u32 v3, $0x3  }
0x25: {  	v4 =	vmul.u32 $0x18, v4  }
0x26: {  	v3 =	vand.u32 $0x7, v3  }
0x27: {  	v3 =	vor.u32 v3, v4  }
0x28: {  	v4 =	vperm.xlane v3, v0;
	_ =	sdelay $0x1  }
0x29: {  	s18 =	sand.u32 $0x1, s14;
	v4 =	vadd.s32 v1, v4  }
0x2a: {  	s26 =	smul.u32 $0x15000, s18  }
0x2b: {  	v3 =	vperm.xlane v3, v2  }
0x2c: {  	s21 =	sshrl.u32 s26, $0x2  }
0x2d: {  	s19 =	sor.u32 $0x100, s21;
	v3 =	vadd.s32 v1, v3  }
0x2e: {  	[tilespmem:s19], [sflag:$0x5] =	stream.indirect_vreg.gather [hbm4b:s1+s3], $0x80, v4, vm0, $0x2000b8;
	[tilespmem:$0xA900] =	vst v63  }
0x2f: {  	s22 =	sadd.s32 $0x900, s21  }
0x30: {  	[tilespmem:s22], [sflag:$0x5] =	stream.indirect_vreg.gather [hbm4b:s7+s3], $0x80, v4, vm1, $0x2000b8;
	[tilespmem:$0xA900] =	vst v63  }
0x31: {  	s28 =	sadd.s32 $0xD00, s21  }
0x32: {  	[tilespmem:s28], [sflag:$0x5] =	stream.indirect_vreg.gather [hbm4b:s1+s3], $0x80, v3, vm0, $0x2000b8;
	[tilespmem:$0xA900] =	vst v63  }
0x33: {  	s29 =	sadd.s32 $0x1500, s21  }
0x34: {  	[tilespmem:s29], [sflag:$0x5] =	stream.indirect_vreg.gather [hbm4b:s7+s3], $0x80, v3, vm1, $0x2000b8;
	[tilespmem:$0xA900] =	vst v63  }
0x35: {  	v3 =	vld [tilespmem:s20+$0x10];
	_ =	sdelay $0x4  }
0x36: {  	v61 =	vshrl.u32 v3, $0x3  }
0x37: {  	v4 =	vmul.u32 $0x18, v61  }
0x38: {  	v3 =	vand.u32 $0x7, v3  }
0x39: {  	v3 =	vor.u32 v3, v4  }
0x3a: {  	v4 =	vperm.xlane v3, v0;
	_ =	sdelay $0x1  }
0x3b: {  	v4 =	vadd.s32 v1, v4;
	_ =	sdelay $0x1  }
0x3c: {  	v3 =	vperm.xlane v3, v2;
	_ =	sdelay $0x1  }
0x3d: {  	s30 =	sadd.s32 $0x1900, s21;
	v3 =	vadd.s32 v1, v3  }
0x3e: {  	[tilespmem:s30], [sflag:$0x5] =	stream.indirect_vreg.gather [hbm4b:s1+s3], $0x80, v4, vm0, $0x2000b8;
	[tilespmem:$0xA900] =	vst v63  }
0x3f: {  	s31 =	sadd.s32 $0x2100, s21  }
0x40: {  	[tilespmem:s31], [sflag:$0x5] =	stream.indirect_vreg.gather [hbm4b:s7+s3], $0x80, v4, vm1, $0x2000b8;
	[tilespmem:$0xA900] =	vst v63  }
0x41: {  	s23 =	sadd.s32 $0x2500, s21  }
0x42: {  	[tilespmem:s23], [sflag:$0x5] =	stream.indirect_vreg.gather [hbm4b:s1+s3], $0x80, v3, vm0, $0x2000b8;
	[tilespmem:$0xA900] =	vst v63  }
0x43: {  	s24 =	sadd.s32 $0x2D00, s21  }
0x44: {  	[tilespmem:s24], [sflag:$0x5] =	stream.indirect_vreg.gather [hbm4b:s7+s3], $0x80, v3, vm1, $0x2000b8;
	[tilespmem:$0xA900] =	vst v63  }
0x45: {  	v3 =	vld [tilespmem:s20+$0x20];
	_ =	sdelay $0x4  }
0x46: {  	v62 =	vshrl.u32 v3, $0x3  }
0x47: {  	v4 =	vmul.u32 $0x18, v62  }
0x48: {  	v3 =	vand.u32 $0x7, v3  }
0x49: {  	v3 =	vor.u32 v3, v4  }
0x4a: {  	v4 =	vperm.xlane v3, v0;
	_ =	sdelay $0x1  }
0x4b: {  	v4 =	vadd.s32 v1, v4;
	_ =	sdelay $0x1  }
0x4c: {  	v3 =	vperm.xlane v3, v2;
	_ =	sdelay $0x1  }
0x4d: {  	s25 =	sadd.s32 $0x3100, s21;
	v3 =	vadd.s32 v1, v3  }
0x4e: {  	[tilespmem:s25], [sflag:$0x5] =	stream.indirect_vreg.gather [hbm4b:s1+s3], $0x80, v4, vm0, $0x2000b8;
	[tilespmem:$0xA900] =	vst v63  }
0x4f: {  	s26 =	sadd.s32 $0x3900, s21  }
0x50: {  	[tilespmem:s26], [sflag:$0x5] =	stream.indirect_vreg.gather [hbm4b:s7+s3], $0x80, v4, vm1, $0x2000b8;
	[tilespmem:$0xA900] =	vst v63  }
0x51: {  	s28 =	sadd.s32 $0x3D00, s21  }
0x52: {  	[tilespmem:s28], [sflag:$0x5] =	stream.indirect_vreg.gather [hbm4b:s1+s3], $0x80, v3, vm0, $0x2000b8;
	[tilespmem:$0xA900] =	vst v63  }
0x53: {  	s29 =	sadd.s32 $0x4500, s21;
	s20 =	sor.u32 $0x30, s20  }
0x54: {  	[tilespmem:s29], [sflag:$0x5] =	stream.indirect_vreg.gather [hbm4b:s7+s3], $0x80, v3, vm1, $0x2000b8;
	[tilespmem:$0xA900] =	vst v63  }
0x55: {  	v3 =	vld.msk [tilespmem:s20+$0x0], $0xff;
	_ =	sdelay $0x4  }
0x56: {  	v63 =	vshrl.u32 v3, $0x3  }
0x57: {  	v4 =	vmul.u32 $0x18, v63  }
0x58: {  	v3 =	vand.u32 $0x7, v3  }
0x59: {  	v3 =	vor.u32 v3, v4  }
0x5a: {  	v3 =	vperm.xlane v3, v0;
	_ =	sdelay $0x1  }
0x5b: {  	v3 =	vadd.s32 v1, v3;
	_ =	sdelay $0x3  }
0x5c: {  	s30 =	sadd.s32 $0x4900, s21  }
0x5d: {  	[tilespmem:s30], [sflag:$0x5] =	stream.indirect_vreg.gather [hbm4b:s1+s3], $0x80, v3, vm0, $0x2000b8;
	[tilespmem:$0xA900] =	vst v63  }
0x5e: {  	s31 =	sadd.s32 $0x5100, s21  }
0x5f: {  	[tilespmem:s31], [sflag:$0x5] =	stream.indirect_vreg.gather [hbm4b:s7+s3], $0x80, v3, vm1, $0x2000b8;
	[tilespmem:$0xA900] =	vst v63  }
0x60: {  	p2 =	seq.s32 s11, $0x1;
	_ =	swait.ge [sflag:s9], $0x5400  }
0x61: {  	s17 =	sadd.s32 s5, s17;
	p1 =	por p2, p1;
	[sflag:s9] =	ssyncset.done $0x0  }
0x62: {  	s17 =	smul.u32 @p1 $0x5400, s17;
	[sflag:s9] =	ssyncadd.s32 $0xFFFFAC00  }
0x63: {  	_ =	strace $0x9000004B  }
0x64: {  	s17 =	sshrl.u32 @p1 s17, $0x3;
	s21 =	simm.s32 $0x1;
	_ =	strace @p1 $0x8000004C  }
0x65: {  	s18 =	sadd.s32 @p1 $0x3, s18;
	s21 =	simm.s32 @!p0 $0x0;
	s20 =	rddreg [dreg:$0x3]  }
0x66: {  	p0 =	seq.s32 s11, $0x80;
	s17 =	sadd.s32 @p1 s20, s17;
	s20 =	simm.s32 @p1 $0x0  }
0x67: {  	[hbm4b:s17+s20] =	stream.linear.scatter @p1 [tilespmem:s19], [sflag:s18], $0x5400, $0x200038;
	[tilespmem:$0xA900] =	vst v63  }
0x68: {  	s17 =	simm.s32 $0x1;
	s19 =	simm.s32 $0x1;
	_ =	strace @p1 $0x9000004C  }
0x69: {  	s17 =	simm.s32 @!p1 $0x0;
	p1 =	sne.s32 s11, $0x80;
	s11 =	sadd.s32 $0xFFFFFFFF, s11  }
0x6a: {  	s18 =	sand.u32 @!p0 $0x1, s12;
	s19 =	simm.s32 @!p1 $0x0;
	p1 =	sne.s32 s11, $0x0  }
.Ltmp0:
0x6b: {  	s18 =	sadd.s32 @!p0 $0x3, s18;
	_ =	strace @!p0 $0x8000004D;
	(pc) =	sbr.rel @p1 .LBB2_2-.Ltmp0, $4  }
0x6c: {  	_ =	swait.ge @!p0 [sflag:s18], $0x5400  }
0x6d: {  	[sflag:s18] =	ssyncset.done @!p0 $0x0  }
0x6e: {  	s16 =	sadd.s32 s21, s16;
	s14 =	sadd.s32 s17, s14;
	[sflag:s18] =	ssyncadd.s32 @!p0 $0xFFFFAC00  }
0x6f: {  	s15 =	sadd.s32 s17, s15;
	s12 =	sadd.s32 s19, s12;
	_ =	strace @!p0 $0x9000004D  }
0x70: {  	s10 =	sadd.s32 $0x1, s10  }
0x71: {  	s11 =	sand.u32 $0x1, s12;
	p0 =	sne.s32 s10, s8  }
.Ltmp1:
0x72: {  	_ =	strace $0x8000004E;
	s11 =	sadd.s32 $0x3, s11;
	(pc) =	sbr.rel @p0 .LBB2_1-.Ltmp1, $4  }
0x73: {  	_ =	swait.ge [sflag:s11], $0x5400  }
0x74: {  	[sflag:s11] =	ssyncset.done $0x0  }
0x75: {  	[sflag:s11] =	ssyncadd.s32 $0xFFFFAC00  }
0x76: {  	_ =	strace $0x9000004E  }
0x77: {  	_ =	sfence.sel $0x180000  }
0x78: {  	[bflag:$0x0] =	sbarrier.arrive $0xFFFF  }
0x79: {  	p0 =	sne.s32 s2, $0x0;
	_ =	strace $0x90000047  }
0x7a: {  	s0 =	sadd.s32 @!p0 $0x100000, s0;
	[bflag:$0x2] =	sbarrier.arrive $0xFFFF  }
0x7b: {  	[sflag:s0] =	ssyncadd.tile.s32 @!p0 $0x1;
	_ =	shalt  }
.Lfunc_end2:
_tile_overlayer_lowered:
.L_overlay_start_2:
0x7c: {  	(tag) =	ssettag $0x2  }
0x7d: {  	s0 =	rddreg [dreg:$0x0];
	s2 =	stileid.u32  }
0x7e: {  	s1 =	rddreg [dreg:$0x1];
	p0 =	sne.s32 s2, $0x0  }
0x7f: {  	s3 =	rddreg [dreg:$0x2];
	[bflag:$0x3] =	sbarrier.arrive $0xFFFF;
	s2 =	simm.s32 @!p0 $0x1C01  }
0x80: {  	[timem:s3], [sflag:s2] =	dma.local @!p0 [hbm:s0], s1  }
0x81: {  	s0 =	simm.s32 @!p0 $0x1  }
0x82: {  	_ =	swait.ge @!p0 [sflag:s0], s1  }
0x83: {  	s1 =	ssub.s32 @!p0 $0x0, s1;
	[sflag:s0] =	ssyncset.done @!p0 $0x0  }
0x84: {  	[sflag:s0] =	ssyncadd.s32 @!p0 s1  }
0x85: {  	[bflag:$0x3] =	sbarrier.arrive $0xFFFF  }
0x86: {  	_ =	shalt  }

// kernel: sparse-core-data-format-call.cloned.1.call-start
scs
called_computation_lowered:
.L_overlay_start_0:
0x0: {  	s2 =	sld [smem:$0x3FD9]  }
0x1: {  	s3 =	sld [smem:$0x3FFE];
	_ =	sdelay $0x1  }
0x2: {  	s1 =	srdreg.scid  }
0x3: {  	s0 =	sand.u32 $0x1, s1  }
0x4: {  	s15 =	sshll.u32 s0, $0xA;
	s2 =	sadd.s32 s3, s2  }
0x5: {  	s2 =	sadd.s32 s2, s15  }
0x6: {  	[smem:$0x3FC5] =	sst s2  }
0x7: {  	_ = 	snop  }
0x8: {  	s2 =	sld [smem:$0x3FD0];
	_ =	sdelay $0x2  }
0x9: {  	s16 =	simm.s32 $0xA;
	s4 =	simm.s32 $0x10  }
0xa: {  	[smem:s4], [sflag:s16] =	dma.local [hbm:s2], $0x1  }
0xb: {  	_ =	swait.eq [sflag:s16], $0x1  }
0xc: {  	[sflag:s16] =	ssyncset.done $0x0  }
0xd: {  	[sflag:s16] =	ssyncadd.s32 $0xFFFFFFFF  }
0xe: {  	s17 =	sld [smem:$0x10];
	(tm) =	ssettm $0x1  }
0xf: {  	s18 =	sld [smem:$0x3FFB];
	_ =	sdelay $0x3  }
0x10: {  	_ =	strace s18  }
0x11: {  	s3 =	sld [smem:$0x3FFC];
	_ =	sdelay $0x3  }
0x12: {  	_ =	strace s3  }
0x13: {  	s3 =	sld [smem:$0x3FFD];
	_ =	sdelay $0x3  }
0x14: {  	_ =	strace s3  }
0x15: {  	_ =	strace $0x8FFFFFFF  }
0x16: {  	s19 =	sld [smem:$0x3FDB];
	_ =	sdelay $0x1  }
0x17: {  	s20 =	simm.s32 $_scs_section_size  }
0x18: {  	s5 =	simm.s32 $_size__tile_overlayer_lowered;
	s6 =	simm.s32 $_tile_overlayer_lowered  }
0x19: {  	s23 =	simm.s32 $0x1BFF;
	s22 =	sshll.u32 s6, $0x1;
	s3 =	sadd.s32 s20, s19  }
0x1a: {  	s7 =	simm.s32 $0x0;
	s21 =	sshll.u32 s5, $0x1;
	s5 =	sadd.s32 s22, s3  }
0x1b: {  	[timem:s7], [sflag:s23] =	dma.local [hbm:s5], s21  }
0x1c: {  	_ =	swait.ge [sflag:s23], s21  }
0x1d: {  	s4 =	ssub.s32 $0x0, s21;
	[sflag:s23] =	ssyncset.done $0x0  }
0x1e: {  	[sflag:s23] =	ssyncadd.s32 s4;
	_ =	sdelay $0x1  }
0x1f: {  	s24 =	simm.s32 $0x1B8B  }
0x20: {  	_ =	swait.ge [sflag:s24], $0x1  }
0x21: {  	[sflag:s24] =	ssyncset.done $0x0  }
0x22: {  	s26 =	simm.s32 $0x1B8E;
	s25 =	sld [smem:$0x3FFE];
	[sflag:s24] =	ssyncadd.s32 $0xFFFFFFFF  }
0x23: {  	s27 =	simm.s32 $execute0_lowered;
	[smem:$0x3FD2] =	sst s26  }
0x24: {  	s5 =	sshll.u32 s27, $0x1;
	_ =	strace $0x80000050;
	[dreg:$0x1] =	wrdreg $0xFFFFFFFF  }
0x25: {  	s28 =	simm.s32 $_size_execute0_lowered;
	s3 =	sadd.s32 s3, s5;
	[dreg:$0x0] =	wrdreg $0x0  }
0x26: {  	s5 =	sshll.u32 s28, $0x1;
	[dreg:$0x2] =	wrdreg s3  }
0x27: {  	[dreg:$0x3] =	wrdreg s5  }
0x28: {  	[dreg:$0x4] =	wrdreg $0xC0  }
0x29: {  	_ =	task [dreg:s7], $0x5FFFF  }
0x2a: {  	[dreg:$0x1] =	wrdreg $0xFFFFFFFF  }
0x2b: {  	[dreg:$0x0] =	wrdreg $0x60  }
0x2c: {  	[dreg:$0x2] =	wrdreg s25  }
0x2d: {  	[dreg:$0x3] =	wrdreg s17  }
0x2e: {  	[dreg:$0x4] =	wrdreg $0x9  }
0x2f: {  	_ =	task.clear_ibuf [dreg:s7], $0x5FFFF;
	_ =	strace $0x90000050  }
0x30: {  	s29 =	simm.s32 $0x9;
	_ =	strace $0x80000052  }
0x31: {  	_ =	swait.ge [sflag:s29], $0x1  }
0x32: {  	[sflag:s29] =	ssyncadd.s32 $0xFFFFFFFF  }
0x33: {  	_ =	strace $0x90000052  }
0x34: {  	_ =	sfence  }
0x35: {  	s30 =	sld [smem:$0x0];
	_ =	sdelay $0x2  }
0x36: {  	s31 =	sshll.u32 s1, $0xD;
	s1 =	sshrl.u32 s1, $0x2  }
0x37: {  	s3 =	sand.u32 $0x4000, s31;
	s1 =	sadd.s32 s1, s30  }
0x38: {  	s0 =	sor.u32 s3, s0;
	s1 =	sshll.u32 s1, $0x11  }
0x39: {  	s0 =	sor.u32 s1, s0  }
0x3a: {  	s0 =	sadd.s32 $0x8F2B, s0  }
0x3b: {  	[sflag:s0] =	ssyncadd.remote.s32 $0x1  }
0x3c: {  	_ =	sfence.sel $0xFFFF  }
0x3d: {  	[dreg:$0x0] =	wrdreg $0xFFFFFFFF;
	(pc) =	sbr.abs _section_cstart, $3  }
0x3e: {  	[dreg:$0x1] =	wrdreg $0xFFFFFFFF  }
0x3f: {  	_ =	task.clear_ibuf [dreg:s7], $0x2FFFF;
	_ =	strace $0x9FFFFFFF  }
0x40: {  	(tm) =	ssettm $0x7FFFFFFF  }
0x41: {  	_ =	shalt  }
tec
execute0_lowered:
.L_overlay_start_1:
0x0: {  	(tag) =	ssettag $0x1  }
0x1: {  	s0 =	srdreg.scid;
	s6 =	rddreg [dreg:$0x0]  }
0x2: {  	s3 =	rddreg [dreg:$0x1];
	s1 =	sshll.u32 s0, $0x4  }
0x3: {  	s5 =	simm.s32 $0x1;
	s0 =	stileid.u32;
	s1 =	sand.u32 $0x10, s1  }
0x4: {  	s31 =	simm.s32 $0x2;
	s16 =	simm.s32 $0x0;
	s1 =	sor.u32 s0, s1  }
0x5: {  	s8 =	simm.s32 $0x8000;
	s18 =	simm.s32 $0x0;
	s2 =	sshll.u32 s1, $0x7  }
0x6: {  	s17 =	simm.s32 $0x0;
	s9 =	simm.s32 $0x0;
	s4 =	ssub.s32 $0x1000, s2  }
0x7: {  	s10 =	simm.s32 $0x0;
	s11 =	simm.s32 $0x0;
	s30 =	sand.u32 $0xF80, s4  }
0x8: {  	s12 =	simm.s32 $0x0;
	s13 =	simm.s32 $0x0;
	p0 =	sne.s32 s30, $0x0  }
.Ltmp0:
0x9: {  	s7 =	sshrl.u32 s4, $0xC;
	s5 =	simm.s32 @!p0 $0x0;
	(pc) =	sbr.rel .LBB1_1-.Ltmp0, $4  }
0xa: {  	s15 =	simm.s32 $0x0;
	s1 =	rddreg [dreg:$0x2];
	s5 =	sadd.s32 s5, s7  }
0xb: {  	_ =	strace $0x80000051;
	s4 =	simm.s32 $0x1;
	s5 =	smul.u32 $0x96, s5  }
0xc: {  	s6 =	sadd.s32 $0x21400, s6;
	s14 =	smov.u32 s2;
	[sflag:s4] =	ssyncpa.u1 $0x0  }
0xd: {  	[sflag:s31] =	ssyncpa.u1 $0x0;
	p0 =	por $0x0, $0x0;
	s7 =	sor.u32 $0x1, s5  }
.LBB1_4:
0xe: {  	s23 =	sshra.s32 s23, $0x2;
	s30 =	sshll.u32 s9, $0xC  }
0xf: {  	p1 =	sgt.s32 s10, $0x31;
	s24 =	smov.u32 s10;
	s25 =	sshra.s32 s10, $0x1F  }
0x10: {  	s26 =	sshll.u32 s11, $0x3;
	s28 =	smov.u32 s11;
	s29 =	sshra.s32 s11, $0x1F  }
0x11: {  	s22 =	sadd.s32 s23, s22;
	s24 =	simm.s32 @!p1 $0x31;
	s25 =	sand.u32 s25, s10  }
0x12: {  	s23 =	sand.u32 $0xFFFF8000, s30;
	s27 =	sand.u32 $0xFFFFFC00, s26;
	p1 =	sgt.s32 s9, $0xB0  }
0x13: {  	s31 =	sand.u32 s29, s11;
	s29 =	sshll.u32 s9, $0x7;
	s30 =	sshra.s32 s9, $0x1F  }
0x14: {  	[tilespmem:s21+$0x2040 ss:$0x81] =	vst.msk $0xffff, v4;
	s24 =	ssub.s32 s24, s25;
	s23 =	sadd.s32 s27, s23;
	s27 =	smov.u32 s9  }
0x15: {  	[tilespmem:s21+$0x2850 ss:$0x81] =	vst.msk $0xffff, v3;
	s29 =	sand.u32 $0x380, s29;
	s25 =	sadd.s32 $0xFFFFFFCF, s24;
	s27 =	simm.s32 @!p1 $0xB0  }
0x16: {  	v5 =	vld [tilespmem:s20+$0xFFFFFFD0];
	[tilespmem:s21+$0x3060 ss:$0x81] =	vst.msk $0xffff, v2;
	p1 =	sgt.s32 s11, $0xF80;
	s23 =	sshrl.u32 s23, $0xC;
	s24 =	ssub.s32 $0x32, s24  }
0x17: {  	v58 =	vld [tilespmem:s20+$0xFFFFFFE0];
	[tilespmem:s21+$0x0 ss:$0x81] =	vst.msk $0xffff, v1;
	s28 =	simm.s32 @!p1 $0xF80;
	p1 =	sgt.s32 s25, $0x0;
	s21 =	smulhi.u32 $0xD79436, s23  }
0x18: {  	v59 =	vld [tilespmem:s20+$0xFFFFFFF0];
	s25 =	ssub.s32 s28, s31;
	s28 =	sand.u32 s30, s9;
	s24 =	simm.s32 @p1 $0x0  }
0x19: {  	v60 =	vld [tilespmem:s20+$0x0];
	s27 =	ssub.s32 s27, s28;
	s31 =	sadd.s32 $0xFFFFF080, s25;
	s25 =	ssub.s32 $0x1000, s25  }
0x1a: {  	v61 =	vld [tilespmem:s20+$0x10];
	[tilespmem:s22+$0x3870 ss:$0x81] =	vst.msk $0xffff, v0;
	s21 =	smul.u32 $0x130, s21;
	s28 =	sand.u32 $0x7, s11;
	p1 =	sgt.s32 s31, $0x7F  }
0x1b: {  	v62 =	vld [tilespmem:s20+$0x20];
	[tilespmem:s22+$0x810 ss:$0x81] =	vst.msk $0xffff, v5;
	s30 =	sadd.s32 $0xFFFFFF50, s27;
	s31 =	sand.u32 $0x78, s11;
	s25 =	simm.s32 @p1 $0x0  }
0x1c: {  	v63 =	vld [tilespmem:s20+$0xFFFFFFC0];
	[tilespmem:s22+$0x1020 ss:$0x81] =	vst.msk $0xffff, v58;
	p1 =	sgt.s32 s30, $0x7F;
	s30 =	sand.u32 $0xC00, s26;
	s24 =	smul.u32 s25, s24  }
0x1d: {  	[tilespmem:s22+$0x1830 ss:$0x81] =	vst.msk $0xffff, v59;
	s26 =	ssub.s32 $0x130, s27;
	s20 =	sor.u32 s31, s30;
	s31 =	smul.u32 $0x26000, s10  }
0x1e: {  	[tilespmem:s22+$0x2040 ss:$0x81] =	vst.msk $0xffff, v60;
	s21 =	ssub.s32 s23, s21;
	s26 =	simm.s32 @p1 $0x0;
	s20 =	sor.u32 s29, s20  }
0x1f: {  	[tilespmem:s22+$0x2850 ss:$0x81] =	vst.msk $0xffff, v61;
	s26 =	smul.u32 s26, s24;
	s20 =	sshrl.u32 s20, $0x3;
	s27 =	sadd.s32 s3, s31  }
0x20: {  	[tilespmem:s22+$0x3060 ss:$0x81] =	vst.msk $0xffff, v62;
	s21 =	sshll.u32 s21, $0x9;
	s29 =	sshll.u32 s28, $0x12;
	s20 =	sadd.s32 s20, s27  }
0x21: {  	[tilespmem:s22+$0x0 ss:$0x81] =	vst.msk $0xffff, v63;
	s31 =	sor.u32 $0x400, s29;
	s30 =	sand.u32 $0x3FFFFFFF, s26;
	s20 =	sadd.s32 s21, s20  }
0x22: {  	[hbm4b:s20+s31] =	stream.strided.scatter [tilespmem:s19], [sflag:$0x2], s30, s8, s31, $0x20;
	[tilespmem:$0x10100] =	vst v63  }
.LBB1_5:
0x23: {  	p1 =	slt.u32 s15, $0x2  }
0x24: {  	p2 =	sgt.s32 @!p1 s18, $0x31  }
0x25: {  	s19 =	smov.u32 s18;
	s20 =	sshra.s32 @!p1 s18, $0x1F;
	p2 =	por !p2, p1  }
0x26: {  	s18 =	sand.u32 @!p1 s20, s18;
	s19 =	simm.s32 @p2 $0x31  }
0x27: {  	p3 =	sgt.s32 @!p1 s16, $0xB0;
	s18 =	ssub.s32 @!p1 s19, s18  }
0x28: {  	p4 =	sgt.s32 @!p1 s17, $0xF80;
	s21 =	sshra.s32 @!p1 s17, $0x1F;
	s19 =	sadd.s32 @!p1 $0xFFFFFFCF, s18  }
0x29: {  	s20 =	smov.u32 s16;
	p2 =	sgt.s32 @!p1 s19, $0x0;
	s19 =	sshra.s32 @!p1 s16, $0x1F  }
0x2a: {  	p4 =	por !p4, p1;
	s16 =	sand.u32 @!p1 s19, s16;
	s19 =	smov.u32 s17  }
0x2b: {  	p3 =	por !p3, p1;
	s17 =	sand.u32 @!p1 s21, s17;
	s19 =	simm.s32 @p4 $0xF80  }
0x2c: {  	s20 =	simm.s32 @p3 $0xB0;
	s18 =	ssub.s32 @!p1 $0x32, s18;
	s17 =	ssub.s32 @!p1 s19, s17  }
0x2d: {  	p2 =	por !p2, p1;
	s16 =	ssub.s32 @!p1 s20, s16;
	s20 =	sadd.s32 @!p1 $0xFFFFF080, s17  }
0x2e: {  	s18 =	simm.s32 @!p2 $0x0;
	p3 =	sgt.s32 @!p1 s20, $0x7F  }
0x2f: {  	s19 =	sadd.s32 @!p1 $0xFFFFFF50, s16;
	s17 =	ssub.s32 @!p1 $0x1000, s17;
	p3 =	por !p3, p1  }
0x30: {  	p2 =	sgt.s32 @!p1 s19, $0x7F;
	s19 =	sadd.s32 $0x80, s12;
	s17 =	simm.s32 @!p3 $0x0  }
0x31: {  	p3 =	sgt.s32 s19, $0x12B;
	s17 =	smul.u32 @!p1 s17, s18;
	s18 =	simm.s32 $0x1  }
0x32: {  	s16 =	ssub.s32 @!p1 $0x130, s16;
	p2 =	por !p2, p1;
	s18 =	simm.s32 @!p3 $0x0  }
0x33: {  	s21 =	smov.u32 s14;
	s16 =	simm.s32 @!p2 $0x0;
	s20 =	sadd.s32 s18, s13  }
0x34: {  	s16 =	smul.u32 @!p1 s16, s17;
	s17 =	sadd.s32 $0x1000, s14;
	p2 =	sgt.s32 s20, $0x31  }
0x35: {  	p0 =	por !p0, !p0;
	s22 =	simm.s32 @!p1 $0x2;
	s21 =	smov.u32 @p2 s17  }
0x36: {  	s19 =	simm.s32 @p3 $0x0;
	s20 =	simm.s32 @p2 $0x0;
	p2 =	sgt.s32 s21, $0xFFF  }
0x37: {  	s18 =	smov.u32 s10;
	s21 =	smov.u32 @p2 s2;
	p2 =	sne.s32 s15, s7  }
.Ltmp1:
0x38: {  	s10 =	smov.u32 s13;
	s16 =	sand.u32 @!p1 $0x3FFFFFFF, s16;
	(pc) =	sbr.rel @!p2 .LBB1_6-.Ltmp1, $4  }
0x39: {  	s17 =	smov.u32 s11;
	s11 =	smov.u32 s14;
	_ =	swait.ge @!p1 [sflag:s22], s16  }
0x3a: {  	s23 =	ssub.s32 @!p1 $0x0, s16;
	s16 =	smov.u32 s9;
	s9 =	smov.u32 s12  }
0x3b: {  	s12 =	smov.u32 s19;
	s13 =	smov.u32 s20;
	[sflag:s22] =	ssyncset.done @!p1 $0x0  }
0x3c: {  	s15 =	sadd.s32 $0x1, s15;
	[sflag:s22] =	ssyncadd.s32 @!p1 s23;
	s14 =	smov.u32 s21  }
.LBB1_1:
0x3d: {  	p1 =	sge.u32 s15, s5  }
0x3e: {  	s19 =	sshrl.u32 @!p1 s13, $0x3  }
0x3f: {  	s20 =	sshll.u32 @!p1 s12, $0x3;
	s19 =	smul.u32 @!p1 $0xC00, s19  }
0x40: {  	s21 =	sshll.u32 @!p1 s13, $0x7;
	s20 =	sand.u32 @!p1 $0xFFFFFC00, s20  }
0x41: {  	s19 =	sadd.s32 @!p1 s19, s20;
	s20 =	sand.u32 @!p1 $0x380, s21  }
0x42: {  	s19 =	sor.u32 @!p1 s20, s19  }
0x43: {  	s20 =	sand.u32 @!p1 $0x7F, s12;
	s21 =	smulhi.u32 @!p1 $0xAAAAAAAB, s19  }
0x44: {  	s19 =	sor.u32 @!p1 s20, s19  }
0x45: {  	s20 =	smulhi.u32 @!p1 $0xAAAAAAAB, s19;
	s21 =	sshrl.u32 @!p1 s21, $0x8  }
0x46: {  	s22 =	smulhi.u32 @!p1 $0x4924925, s21;
	_ =	sdelay $0x1  }
0x47: {  	s20 =	sshrl.u32 @!p1 s20, $0x8;
	s22 =	smul.u32 @!p1 $0x38, s22  }
0x48: {  	s31 =	sadd.s32 $0xFFFFFFFF, s15;
	s20 =	smul.u32 @!p1 $0x180, s20  }
0x49: {  	s23 =	sxor.u32 @!p1 $0xFFFFFFFF, s15;
	s21 =	ssub.s32 @!p1 s21, s22;
	s22 =	smul.u32 @!p1 $0xA80, s14  }
0x4a: {  	s23 =	sshll.u32 @!p1 s23, $0xE;
	s19 =	ssub.s32 @!p1 s19, s20;
	s20 =	smul.u32 @!p1 $0x30, s21  }
0x4b: {  	s21 =	sand.u32 @!p1 $0x4000, s23;
	s23 =	sand.u32 @!p1 $0x7, s19;
	s22 =	sadd.s32 @!p1 s6, s22  }
0x4c: {  	s19 =	sshrl.u32 @!p1 s19, $0x3;
	s20 =	sadd.s32 @!p1 s20, s22;
	s22 =	sshll.u32 @!p1 s23, $0x12  }
0x4d: {  	s19 =	sadd.s32 @!p1 s19, s20;
	s20 =	sor.u32 @!p1 $0x80, s22;
	s22 =	simm.s32 @!p1 $0x5400  }
0x4e: {  	[tilespmem:s21], [sflag:$0x1] =	stream.strided.gather @!p1 [hbm4b:s19+s20], $0x4000, s22, s20, $0x38;
	[tilespmem:$0x10100] =	vst v63  }
0x4f: {  	p1 =	sge.u32 s31, s5  }
.Ltmp2:
0x50: {  	_ = 	snop;
	(pc) =	sbr.rel @p1 .LBB1_5-.Ltmp2, $1  }
0x51: {  	_ =	sdelay $0x3  }
0x52: {  	s19 =	simm.s32 $0x1  }
0x53: {  	_ =	swait.ge [sflag:s4], $0x4000;
	s19 =	simm.s32 @!p0 $0x0  }
0x54: {  	[sflag:s4] =	ssyncset.done $0x0;
	s20 =	sshll.u32 s19, $0xE  }
0x55: {  	[sflag:s4] =	ssyncadd.s32 $0xFFFFC000;
	s20 =	sor.u32 $0x40, s20  }
0x56: {  	s19 =	smul.u32 $0x10200, s19;
	v0 =	vld [tilespmem:s20+$0x30]  }
0x57: {  	v1 =	vld [tilespmem:s20+$0xFFFFFFD0]  }
0x58: {  	s19 =	sshrl.u32 s19, $0x2;
	v5 =	vld [tilespmem:s20+$0xFFFFFFE0]  }
0x59: {  	v6 =	vld [tilespmem:s20+$0xFFFFFFF0];
	s22 =	sor.u32 $0x8000, s19  }
0x5a: {  	s31 =	sand.u32 $0x1, s15;
	v4 =	vld [tilespmem:s20+$0x0];
	s21 =	sadd.s32 $0x0, s22  }
0x5b: {  	v3 =	vld [tilespmem:s20+$0x10];
	s19 =	smul.u32 $0x10200, s31;
	[tilespmem:s21+$0x3870 ss:$0x81] =	vst.msk $0xffff, v0  }
0x5c: {  	v2 =	vld [tilespmem:s20+$0x20];
	[tilespmem:s21+$0x810 ss:$0x81] =	vst.msk $0xffff, v1  }
0x5d: {  	s19 =	sshrl.u32 s19, $0x2;
	v1 =	vld [tilespmem:s20+$0xFFFFFFC0];
	[tilespmem:s21+$0x1020 ss:$0x81] =	vst.msk $0xffff, v5;
	s20 =	sadd.s32 $0x80, s20  }
0x5e: {  	s23 =	simm.s32 $0x4;
	s24 =	simm.s32 $0x8;
	s19 =	sor.u32 $0x8000, s19;
	[tilespmem:s21+$0x1830 ss:$0x81] =	vst.msk $0xffff, v6;
	v0 =	vld [tilespmem:s20+$0x30]  }
.LBB1_3:
0x5f: {  	p1 =	sne.s32 s24, $0x1FC;
	v5 =	vld [tilespmem:s20+$0xFFFFFFD0];
	[tilespmem:s21+$0x2040 ss:$0x81] =	vst.msk $0xffff, v4  }
0x60: {  	v6 =	vld [tilespmem:s20+$0xFFFFFFE0];
	[tilespmem:s21+$0x2850 ss:$0x81] =	vst.msk $0xffff, v3  }
0x61: {  	s25 =	sshra.s32 s23, $0x2;
	s23 =	smov.u32 s24;
	v7 =	vld [tilespmem:s20+$0xFFFFFFF0];
	[tilespmem:s21+$0x3060 ss:$0x81] =	vst.msk $0xffff, v2  }
.Ltmp3:
0x62: {  	v4 =	vld [tilespmem:s20+$0x0];
	[tilespmem:s21+$0x0 ss:$0x81] =	vst.msk $0xffff, v1;
	s21 =	sadd.s32 s25, s22;
	(pc) =	sbr.rel @p1 .LBB1_3-.Ltmp3, $4  }
0x63: {  	v3 =	vld [tilespmem:s20+$0x10];
	[tilespmem:s21+$0x3870 ss:$0x81] =	vst.msk $0xffff, v0  }
0x64: {  	[tilespmem:s21+$0x810 ss:$0x81] =	vst.msk $0xffff, v5;
	v2 =	vld [tilespmem:s20+$0x20]  }
0x65: {  	v1 =	vld [tilespmem:s20+$0xFFFFFFC0];
	[tilespmem:s21+$0x1020 ss:$0x81] =	vst.msk $0xffff, v6;
	s20 =	sadd.s32 $0x80, s20  }
0x66: {  	s24 =	sadd.s32 $0x4, s24;
	v0 =	vld [tilespmem:s20+$0x30];
	[tilespmem:s21+$0x1830 ss:$0x81] =	vst.msk $0xffff, v7  }
.Ltmp4:
0x67: {  	_ = 	snop;
	(pc) =	sbr.rel .LBB1_4-.Ltmp4, $1  }
0x68: {  	_ =	sdelay $0x3  }
.LBB1_6:
0x69: {  	_ =	sfence.sel $0x180000  }
0x6a: {  	s2 =	simm.s32 $0x1;
	[bflag:$0x0] =	sbarrier.arrive $0xFFFF  }
0x6b: {  	s31 =	simm.s32 $0x2;
	[sflag:s2] =	ssyncpa.u1 $0x1  }
0x6c: {  	[sflag:s31] =	ssyncpa.u1 $0x1  }
0x6d: {  	p0 =	sne.s32 s0, $0x0;
	_ =	strace $0x90000051  }
0x6e: {  	s0 =	sadd.s32 @!p0 $0x100000, s1;
	[bflag:$0x2] =	sbarrier.arrive $0xFFFF  }
0x6f: {  	[sflag:s0] =	ssyncadd.tile.s32 @!p0 $0x1;
	_ =	shalt  }
.Lfunc_end1:
_tile_overlayer_lowered:
.L_overlay_start_2:
0x70: {  	(tag) =	ssettag $0x2  }
0x71: {  	s0 =	rddreg [dreg:$0x0];
	s2 =	stileid.u32  }
0x72: {  	s1 =	rddreg [dreg:$0x1];
	p0 =	sne.s32 s2, $0x0  }
0x73: {  	s3 =	rddreg [dreg:$0x2];
	[bflag:$0x3] =	sbarrier.arrive $0xFFFF;
	s2 =	simm.s32 @!p0 $0x1C01  }
0x74: {  	[timem:s3], [sflag:s2] =	dma.local @!p0 [hbm:s0], s1  }
0x75: {  	s0 =	simm.s32 @!p0 $0x1  }
0x76: {  	_ =	swait.ge @!p0 [sflag:s0], s1  }
0x77: {  	s1 =	ssub.s32 @!p0 $0x0, s1;
	[sflag:s0] =	ssyncset.done @!p0 $0x0  }
0x78: {  	[sflag:s0] =	ssyncadd.s32 @!p0 s1  }
0x79: {  	[bflag:$0x3] =	sbarrier.arrive $0xFFFF  }
0x7a: {  	_ =	shalt  }

</sc_bundles>
